<compile_context>
chip_gen: v7x
topology: tpu7x:2x2x1
jax: 0.10.2.dev20260603
libtpu: 0.0.44.dev20260713+nightly
codegen_flags: <defaults>
</compile_context>

<pallas_src>
import functools

import jax
import jax.numpy as jnp
from jax import lax
from jax.experimental import pallas as pl
from jax.experimental.pallas import tpu as pltpu
from jax.experimental.pallas import tpu_sc as plsc

D_MODEL = 64
SCALE = 8.0
CHUNK = 64
DEPTH = 4
NRING = 2 * DEPTH


@functools.lru_cache(maxsize=None)
def _make_kernel(B):
    info = plsc.get_sparse_core_info()
    nc, ns = info.num_cores, info.num_subcores
    nw = nc * ns
    b_per_w = B // nw
    n_chunks = b_per_w // CHUNK
    n_outer = n_chunks // NRING
    assert b_per_w * nw == B and n_outer * NRING == n_chunks

    mesh = plsc.VectorSubcoreMesh(core_axis_name="c", subcore_axis_name="s")

    @functools.partial(
        pl.kernel,
        mesh=mesh,
        out_type=jax.ShapeDtypeStruct((B, 128), jnp.float32),
        compiler_params=pltpu.CompilerParams(
            use_tc_tiling_on_sc=True, needs_layout_passes=False
        ),
        scratch_types=(
            [pltpu.VMEM((b_per_w,), jnp.int32)]
            + [pltpu.VMEM((CHUNK, 128), jnp.float32) for _ in range(NRING)]
            + [pltpu.SemaphoreType.DMA for _ in range(NRING)]
            + [pltpu.SemaphoreType.DMA for _ in range(NRING)]
        ),
    )
    def emb_kernel(x_hbm, lut_hbm, out_hbm, idx_v, *rest):
        gbufs = rest[:NRING]
        gsems = rest[NRING:2 * NRING]
        osems = rest[2 * NRING:]
        wid = lax.axis_index("s") * nc + lax.axis_index("c")
        base = wid * b_per_w

        pltpu.sync_copy(x_hbm.at[pl.ds(base, b_per_w)], idx_v)

        def gather_desc(g, b):
            idx_slice = idx_v.at[pl.ds(pl.multiple_of(g * CHUNK, CHUNK), CHUNK)]
            return pltpu.make_async_copy(lut_hbm.at[idx_slice], gbufs[b], gsems[b])

        def write_desc(g, b):
            dst = out_hbm.at[pl.ds(base + pl.multiple_of(g * CHUNK, CHUNK), CHUNK)]
            return pltpu.make_async_copy(gbufs[b], dst, osems[b])

        for b in range(DEPTH):
            gather_desc(b, b).start()

        def outer(o, carry):
            g0 = o * NRING
            for s in range(NRING):
                g = g0 + s
                gather_desc(g, s).wait()
                write_desc(g, s).start()

                s2 = (s + DEPTH) % NRING

                @pl.when(g >= DEPTH)
                def _():
                    write_desc(g - DEPTH, s2).wait()

                @pl.when(g + DEPTH < n_chunks)
                def _():
                    gather_desc(g + DEPTH, s2).start()
            return carry

        lax.fori_loop(0, n_outer, outer, 0)

        for g in range(n_chunks - DEPTH, n_chunks):
            write_desc(g, g % NRING).wait()

    return emb_kernel


def kernel(x, lut):
    NB, NT = x.shape
    B = NB * NT
    xf = x.reshape(B).astype(jnp.int32)
    lutp = jnp.pad(lut, ((0, 0), (0, 128 - lut.shape[1]))) * SCALE
    out = _make_kernel(B)(xf, lutp)
    return out.reshape(NB, NT, 128)[:, :, :D_MODEL]

# --- scband reference (transcript-rebuilt; emitter-appended) ---
"""Pipeline reference for scband-embeddings-42107859370046 (READ-ONLY COPY).

The authoritative reference and input builder live on the scoring server;
editing this copy changes nothing except your own understanding.
"""

import jax, jax.numpy as jnp
import numpy as np
import math

VOCAB = 1000000
D_MODEL = 64

def setup_inputs(seed: int = 0) -> dict:
    key = jax.random.key(seed)
    k1, k2 = jax.random.split(key)
    x = jax.random.randint(k1, (4096, 200), 0, VOCAB, dtype=jnp.int64 if jax.config.jax_enable_x64 else jnp.int32)
    lut = jax.random.normal(k2, (VOCAB, D_MODEL), dtype=jnp.float32)
    return {"x": x, "lut": lut}

def reference(x, lut):
    # Embedding lookup scaled by sqrt(d_model), faithful to nn.Embedding(vocab, d_model)(x) * sqrt(d_model)
    scale = math.sqrt(D_MODEL)
    emb = jnp.take(lut, x, axis=0)
    return emb * scale

if __name__ == "__main__":
    import jax
    _d = setup_inputs()
    print(jax.jit(kernel)(*tuple(_d.values())))

</pallas_src>

<mosaic_0001>
#map = affine_map<(d0, d1) -> (0)>
#map1 = affine_map<(d0, d1) -> (0, 0)>
module attributes {stable_mosaic.version = 14 : i64} {
  func.func @emb_kernel(%arg0: i32, %arg1: i32, %arg2: memref<819200xi32, #tpu.memory_space<hbm>>, %arg3: memref<1000000x128xf32, #tpu.memory_space<hbm>>, %arg4: memref<819200x128xf32, #tpu.memory_space<hbm>>, %arg5: memref<25600xi32, #tpu.memory_space<vmem>>, %arg6: memref<64x128xf32, #tpu.memory_space<vmem>>, %arg7: memref<64x128xf32, #tpu.memory_space<vmem>>, %arg8: memref<64x128xf32, #tpu.memory_space<vmem>>, %arg9: memref<64x128xf32, #tpu.memory_space<vmem>>, %arg10: memref<64x128xf32, #tpu.memory_space<vmem>>, %arg11: memref<64x128xf32, #tpu.memory_space<vmem>>, %arg12: memref<64x128xf32, #tpu.memory_space<vmem>>, %arg13: memref<64x128xf32, #tpu.memory_space<vmem>>, %arg14: memref<!tpu.dma_semaphore, #tpu.memory_space<semaphore_mem>>, %arg15: memref<!tpu.dma_semaphore, #tpu.memory_space<semaphore_mem>>, %arg16: memref<!tpu.dma_semaphore, #tpu.memory_space<semaphore_mem>>, %arg17: memref<!tpu.dma_semaphore, #tpu.memory_space<semaphore_mem>>, %arg18: memref<!tpu.dma_semaphore, #tpu.memory_space<semaphore_mem>>, %arg19: memref<!tpu.dma_semaphore, #tpu.memory_space<semaphore_mem>>, %arg20: memref<!tpu.dma_semaphore, #tpu.memory_space<semaphore_mem>>, %arg21: memref<!tpu.dma_semaphore, #tpu.memory_space<semaphore_mem>>, %arg22: memref<!tpu.dma_semaphore, #tpu.memory_space<semaphore_mem>>, %arg23: memref<!tpu.dma_semaphore, #tpu.memory_space<semaphore_mem>>, %arg24: memref<!tpu.dma_semaphore, #tpu.memory_space<semaphore_mem>>, %arg25: memref<!tpu.dma_semaphore, #tpu.memory_space<semaphore_mem>>, %arg26: memref<!tpu.dma_semaphore, #tpu.memory_space<semaphore_mem>>, %arg27: memref<!tpu.dma_semaphore, #tpu.memory_space<semaphore_mem>>, %arg28: memref<!tpu.dma_semaphore, #tpu.memory_space<semaphore_mem>>, %arg29: memref<!tpu.dma_semaphore, #tpu.memory_space<semaphore_mem>>) attributes {dimension_semantics = [#tpu.dimension_semantics<core_parallel>, #tpu.dimension_semantics<subcore_parallel>], iteration_bounds = array<i64: 2, 16>, scalar_prefetch = 0 : i64, scratch_operands = 25 : i64, tpu.core_type = #tpu.core_type<sc_vector_subcore>, window_params = [{transform_indices = #map}, {transform_indices = #map1}, {transform_indices = #map1}]} {
    %mul3A = arith.constant 2 : i32
    %mul3A_0 = arith.muli %arg1, %mul3A : i32
    %add3A = arith.addi %mul3A_0, %arg0 : i32
    %mul3A_1 = arith.constant 25600 : i32
    %mul3A_2 = arith.muli %add3A, %mul3A_1 : i32
    "tpu.region"() ({
      %run_scoped3A = tpu.sem_alloc : memref<!tpu.dma_semaphore, #tpu.memory_space<semaphore_mem>>
      %dma_start3A_57 = tpu.memref_slice %arg2[%mul3A_2] : memref<819200xi32, #tpu.memory_space<hbm>> -> memref<25600xi32, #tpu.memory_space<hbm>>
      %dma_start3A_58 = tpu.memref_slice %arg2[%mul3A_2] : memref<819200xi32, #tpu.memory_space<hbm>> -> memref<25600xi32, #tpu.memory_space<hbm>>
      tpu.enqueue_dma source(%dma_start3A_58 : memref<25600xi32, #tpu.memory_space<hbm>>) target(%arg5 : memref<25600xi32, #tpu.memory_space<vmem>>) target_semaphore(%run_scoped3A : memref<!tpu.dma_semaphore, #tpu.memory_space<semaphore_mem>>)
      %dma_wait3A_59 = tpu.memref_slice %arg2[%mul3A_2] : memref<819200xi32, #tpu.memory_space<hbm>> -> memref<25600xi32, #tpu.memory_space<hbm>>
      %dma_wait3A_60 = tpu.memref_slice %arg2[%mul3A_2] : memref<819200xi32, #tpu.memory_space<hbm>> -> memref<25600xi32, #tpu.memory_space<hbm>>
      tpu.wait_dma2 semaphore(%run_scoped3A : memref<!tpu.dma_semaphore, #tpu.memory_space<semaphore_mem>>) src(%dma_wait3A_60 : memref<25600xi32, #tpu.memory_space<hbm>>) dst(%arg5 : memref<25600xi32, #tpu.memory_space<vmem>>)
      tpu.yield
    }) : () -> ()
    %multiple_of3A = arith.constant 0 : i32
    %multiple_of3A_3 = tpu.assume_multiple %multiple_of3A, 64 : i32
    %dma_start3A = tpu.memref_slice %arg5[%multiple_of3A_3] : memref<25600xi32, #tpu.memory_space<vmem>> -> memref<64xi32, #tpu.memory_space<vmem>>
    %dma_start3A_4 = arith.constant 0 : i32
    %dma_start3A_5 = arith.constant 0 : i32
    %dma_start3A_6 = tpu.memref_slice %arg3[%dma_start3A_4, %dma_start3A_5] : memref<1000000x128xf32, #tpu.memory_space<hbm>> -> memref<1000000x128xf32, #tpu.memory_space<hbm>>
    tpu.enqueue_indirect_dma source(%dma_start3A_6 : memref<1000000x128xf32, #tpu.memory_space<hbm>>) target(%arg6 : memref<64x128xf32, #tpu.memory_space<vmem>>) offsets(%dma_start3A : memref<64xi32, #tpu.memory_space<vmem>>) semaphore(%arg14 : memref<!tpu.dma_semaphore, #tpu.memory_space<semaphore_mem>>)
    %multiple_of3A_7 = arith.constant 64 : i32
    %multiple_of3A_8 = tpu.assume_multiple %multiple_of3A_7, 64 : i32
    %dma_start3A_9 = tpu.memref_slice %arg5[%multiple_of3A_8] : memref<25600xi32, #tpu.memory_space<vmem>> -> memref<64xi32, #tpu.memory_space<vmem>>
    %dma_start3A_10 = arith.constant 0 : i32
    %dma_start3A_11 = arith.constant 0 : i32
    %dma_start3A_12 = tpu.memref_slice %arg3[%dma_start3A_10, %dma_start3A_11] : memref<1000000x128xf32, #tpu.memory_space<hbm>> -> memref<1000000x128xf32, #tpu.memory_space<hbm>>
    tpu.enqueue_indirect_dma source(%dma_start3A_12 : memref<1000000x128xf32, #tpu.memory_space<hbm>>) target(%arg7 : memref<64x128xf32, #tpu.memory_space<vmem>>) offsets(%dma_start3A_9 : memref<64xi32, #tpu.memory_space<vmem>>) semaphore(%arg15 : memref<!tpu.dma_semaphore, #tpu.memory_space<semaphore_mem>>)
    %multiple_of3A_13 = arith.constant 128 : i32
    %multiple_of3A_14 = tpu.assume_multiple %multiple_of3A_13, 64 : i32
    %dma_start3A_15 = tpu.memref_slice %arg5[%multiple_of3A_14] : memref<25600xi32, #tpu.memory_space<vmem>> -> memref<64xi32, #tpu.memory_space<vmem>>
    %dma_start3A_16 = arith.constant 0 : i32
    %dma_start3A_17 = arith.constant 0 : i32
    %dma_start3A_18 = tpu.memref_slice %arg3[%dma_start3A_16, %dma_start3A_17] : memref<1000000x128xf32, #tpu.memory_space<hbm>> -> memref<1000000x128xf32, #tpu.memory_space<hbm>>
    tpu.enqueue_indirect_dma source(%dma_start3A_18 : memref<1000000x128xf32, #tpu.memory_space<hbm>>) target(%arg8 : memref<64x128xf32, #tpu.memory_space<vmem>>) offsets(%dma_start3A_15 : memref<64xi32, #tpu.memory_space<vmem>>) semaphore(%arg16 : memref<!tpu.dma_semaphore, #tpu.memory_space<semaphore_mem>>)
    %multiple_of3A_19 = arith.constant 192 : i32
    %multiple_of3A_20 = tpu.assume_multiple %multiple_of3A_19, 64 : i32
    %dma_start3A_21 = tpu.memref_slice %arg5[%multiple_of3A_20] : memref<25600xi32, #tpu.memory_space<vmem>> -> memref<64xi32, #tpu.memory_space<vmem>>
    %dma_start3A_22 = arith.constant 0 : i32
    %dma_start3A_23 = arith.constant 0 : i32
    %dma_start3A_24 = tpu.memref_slice %arg3[%dma_start3A_22, %dma_start3A_23] : memref<1000000x128xf32, #tpu.memory_space<hbm>> -> memref<1000000x128xf32, #tpu.memory_space<hbm>>
    tpu.enqueue_indirect_dma source(%dma_start3A_24 : memref<1000000x128xf32, #tpu.memory_space<hbm>>) target(%arg9 : memref<64x128xf32, #tpu.memory_space<vmem>>) offsets(%dma_start3A_21 : memref<64xi32, #tpu.memory_space<vmem>>) semaphore(%arg17 : memref<!tpu.dma_semaphore, #tpu.memory_space<semaphore_mem>>)
    %scan3A = arith.constant 0 : i32
    %scan3A_25 = arith.constant 0 : i32
    %scan3A_26 = arith.constant 50 : i32
    %scan3A_27 = arith.addi %scan3A_25, %scan3A_26 : i32
    %scan3A_28 = arith.constant 1 : i32
    scf.for %scan3A_57 = %scan3A_25 to %scan3A_27 step %scan3A_28  : i32 {
      %mul3A_58 = arith.constant 8 : i32
      %mul3A_59 = arith.muli %scan3A_57, %mul3A_58 : i32
      %add3A_60 = arith.constant 0 : i32
      %add3A_61 = arith.addi %mul3A_59, %add3A_60 : i32
      %mul3A_62 = arith.constant 64 : i32
      %mul3A_63 = arith.muli %add3A_61, %mul3A_62 : i32
      %multiple_of3A_64 = tpu.assume_multiple %mul3A_63, 64 : i32
      %dma_wait3A_65 = tpu.memref_slice %arg5[%multiple_of3A_64] : memref<25600xi32, #tpu.memory_space<vmem>> -> memref<64xi32, #tpu.memory_space<vmem>>
      %dma_wait3A_66 = arith.constant 0 : i32
      %dma_wait3A_67 = arith.constant 0 : i32
      %dma_wait3A_68 = tpu.memref_slice %arg3[%dma_wait3A_66, %dma_wait3A_67] : memref<1000000x128xf32, #tpu.memory_space<hbm>> -> memref<1000000x128xf32, #tpu.memory_space<hbm>>
      tpu.wait_indirect_dma semaphore(%arg14 : memref<!tpu.dma_semaphore, #tpu.memory_space<semaphore_mem>>) src(%dma_wait3A_68 : memref<1000000x128xf32, #tpu.memory_space<hbm>>) dst(%arg6 : memref<64x128xf32, #tpu.memory_space<vmem>>)
      %mul3A_69 = arith.constant 64 : i32
      %mul3A_70 = arith.muli %add3A_61, %mul3A_69 : i32
      %multiple_of3A_71 = tpu.assume_multiple %mul3A_70, 64 : i32
      %add3A_72 = arith.addi %mul3A_2, %multiple_of3A_71 : i32
      %dma_start3A_73 = arith.constant 0 : i32
      %dma_start3A_74 = tpu.memref_slice %arg4[%add3A_72, %dma_start3A_73] : memref<819200x128xf32, #tpu.memory_space<hbm>> -> memref<64x128xf32, #tpu.memory_space<hbm>>
      %dma_start3A_75 = arith.constant 0 : i32
      %dma_start3A_76 = tpu.memref_slice %arg4[%add3A_72, %dma_start3A_75] : memref<819200x128xf32, #tpu.memory_space<hbm>> -> memref<64x128xf32, #tpu.memory_space<hbm>>
      tpu.enqueue_dma source(%arg6 : memref<64x128xf32, #tpu.memory_space<vmem>>) target(%dma_start3A_76 : memref<64x128xf32, #tpu.memory_space<hbm>>) target_semaphore(%arg22 : memref<!tpu.dma_semaphore, #tpu.memory_space<semaphore_mem>>)
      %ge3A = arith.constant 4 : i32
      %ge3A_77 = arith.cmpi sge, %add3A_61, %ge3A : i32
      %convert_element_type3A = arith.extui %ge3A_77 : i1 to i32
      %cond3A = arith.constant 0 : i32
      %cond3A_78 = arith.cmpi ne, %convert_element_type3A, %cond3A : i32
      scf.if %cond3A_78 {
        %sub3A = arith.constant 4 : i32
        %sub3A_288 = arith.subi %add3A_61, %sub3A : i32
        %mul3A_289 = arith.constant 64 : i32
        %mul3A_290 = arith.muli %sub3A_288, %mul3A_289 : i32
        %multiple_of3A_291 = tpu.assume_multiple %mul3A_290, 64 : i32
        %add3A_292 = arith.addi %mul3A_2, %multiple_of3A_291 : i32
        %dma_wait3A_293 = arith.constant 0 : i32
        %dma_wait3A_294 = tpu.memref_slice %arg4[%add3A_292, %dma_wait3A_293] : memref<819200x128xf32, #tpu.memory_space<hbm>> -> memref<64x128xf32, #tpu.memory_space<hbm>>
        %dma_wait3A_295 = arith.constant 0 : i32
        %dma_wait3A_296 = tpu.memref_slice %arg4[%add3A_292, %dma_wait3A_295] : memref<819200x128xf32, #tpu.memory_space<hbm>> -> memref<64x128xf32, #tpu.memory_space<hbm>>
        tpu.wait_dma2 semaphore(%arg26 : memref<!tpu.dma_semaphore, #tpu.memory_space<semaphore_mem>>) src(%arg10 : memref<64x128xf32, #tpu.memory_space<vmem>>) dst(%dma_wait3A_296 : memref<64x128xf32, #tpu.memory_space<hbm>>)
      } else {
      }
      %add3A_79 = arith.constant 4 : i32
      %add3A_80 = arith.addi %add3A_61, %add3A_79 : i32
      %lt3A = arith.constant 400 : i32
      %lt3A_81 = arith.cmpi slt, %add3A_80, %lt3A : i32
      %convert_element_type3A_82 = arith.extui %lt3A_81 : i1 to i32
      %cond3A_83 = arith.constant 0 : i32
      %cond3A_84 = arith.cmpi ne, %convert_element_type3A_82, %cond3A_83 : i32
      scf.if %cond3A_84 {
        %add3A_288 = arith.constant 4 : i32
        %add3A_289 = arith.addi %add3A_61, %add3A_288 : i32
        %mul3A_290 = arith.constant 64 : i32
        %mul3A_291 = arith.muli %add3A_289, %mul3A_290 : i32
        %multiple_of3A_292 = tpu.assume_multiple %mul3A_291, 64 : i32
        %dma_start3A_293 = tpu.memref_slice %arg5[%multiple_of3A_292] : memref<25600xi32, #tpu.memory_space<vmem>> -> memref<64xi32, #tpu.memory_space<vmem>>
        %dma_start3A_294 = arith.constant 0 : i32
        %dma_start3A_295 = arith.constant 0 : i32
        %dma_start3A_296 = tpu.memref_slice %arg3[%dma_start3A_294, %dma_start3A_295] : memref<1000000x128xf32, #tpu.memory_space<hbm>> -> memref<1000000x128xf32, #tpu.memory_space<hbm>>
        tpu.enqueue_indirect_dma source(%dma_start3A_296 : memref<1000000x128xf32, #tpu.memory_space<hbm>>) target(%arg10 : memref<64x128xf32, #tpu.memory_space<vmem>>) offsets(%dma_start3A_293 : memref<64xi32, #tpu.memory_space<vmem>>) semaphore(%arg18 : memref<!tpu.dma_semaphore, #tpu.memory_space<semaphore_mem>>)
      } else {
      }
      %add3A_85 = arith.constant 1 : i32
      %add3A_86 = arith.addi %mul3A_59, %add3A_85 : i32
      %mul3A_87 = arith.constant 64 : i32
      %mul3A_88 = arith.muli %add3A_86, %mul3A_87 : i32
      %multiple_of3A_89 = tpu.assume_multiple %mul3A_88, 64 : i32
      %dma_wait3A_90 = tpu.memref_slice %arg5[%multiple_of3A_89] : memref<25600xi32, #tpu.memory_space<vmem>> -> memref<64xi32, #tpu.memory_space<vmem>>
      %dma_wait3A_91 = arith.constant 0 : i32
      %dma_wait3A_92 = arith.constant 0 : i32
      %dma_wait3A_93 = tpu.memref_slice %arg3[%dma_wait3A_91, %dma_wait3A_92] : memref<1000000x128xf32, #tpu.memory_space<hbm>> -> memref<1000000x128xf32, #tpu.memory_space<hbm>>
      tpu.wait_indirect_dma semaphore(%arg15 : memref<!tpu.dma_semaphore, #tpu.memory_space<semaphore_mem>>) src(%dma_wait3A_93 : memref<1000000x128xf32, #tpu.memory_space<hbm>>) dst(%arg7 : memref<64x128xf32, #tpu.memory_space<vmem>>)
      %mul3A_94 = arith.constant 64 : i32
      %mul3A_95 = arith.muli %add3A_86, %mul3A_94 : i32
      %multiple_of3A_96 = tpu.assume_multiple %mul3A_95, 64 : i32
      %add3A_97 = arith.addi %mul3A_2, %multiple_of3A_96 : i32
      %dma_start3A_98 = arith.constant 0 : i32
      %dma_start3A_99 = tpu.memref_slice %arg4[%add3A_97, %dma_start3A_98] : memref<819200x128xf32, #tpu.memory_space<hbm>> -> memref<64x128xf32, #tpu.memory_space<hbm>>
      %dma_start3A_100 = arith.constant 0 : i32
      %dma_start3A_101 = tpu.memref_slice %arg4[%add3A_97, %dma_start3A_100] : memref<819200x128xf32, #tpu.memory_space<hbm>> -> memref<64x128xf32, #tpu.memory_space<hbm>>
      tpu.enqueue_dma source(%arg7 : memref<64x128xf32, #tpu.memory_space<vmem>>) target(%dma_start3A_101 : memref<64x128xf32, #tpu.memory_space<hbm>>) target_semaphore(%arg23 : memref<!tpu.dma_semaphore, #tpu.memory_space<semaphore_mem>>)
      %ge3A_102 = arith.constant 4 : i32
      %ge3A_103 = arith.cmpi sge, %add3A_86, %ge3A_102 : i32
      %convert_element_type3A_104 = arith.extui %ge3A_103 : i1 to i32
      %cond3A_105 = arith.constant 0 : i32
      %cond3A_106 = arith.cmpi ne, %convert_element_type3A_104, %cond3A_105 : i32
      scf.if %cond3A_106 {
        %sub3A = arith.constant 4 : i32
        %sub3A_288 = arith.subi %add3A_86, %sub3A : i32
        %mul3A_289 = arith.constant 64 : i32
        %mul3A_290 = arith.muli %sub3A_288, %mul3A_289 : i32
        %multiple_of3A_291 = tpu.assume_multiple %mul3A_290, 64 : i32
        %add3A_292 = arith.addi %mul3A_2, %multiple_of3A_291 : i32
        %dma_wait3A_293 = arith.constant 0 : i32
        %dma_wait3A_294 = tpu.memref_slice %arg4[%add3A_292, %dma_wait3A_293] : memref<819200x128xf32, #tpu.memory_space<hbm>> -> memref<64x128xf32, #tpu.memory_space<hbm>>
        %dma_wait3A_295 = arith.constant 0 : i32
        %dma_wait3A_296 = tpu.memref_slice %arg4[%add3A_292, %dma_wait3A_295] : memref<819200x128xf32, #tpu.memory_space<hbm>> -> memref<64x128xf32, #tpu.memory_space<hbm>>
        tpu.wait_dma2 semaphore(%arg27 : memref<!tpu.dma_semaphore, #tpu.memory_space<semaphore_mem>>) src(%arg11 : memref<64x128xf32, #tpu.memory_space<vmem>>) dst(%dma_wait3A_296 : memref<64x128xf32, #tpu.memory_space<hbm>>)
      } else {
      }
      %add3A_107 = arith.constant 4 : i32
      %add3A_108 = arith.addi %add3A_86, %add3A_107 : i32
      %lt3A_109 = arith.constant 400 : i32
      %lt3A_110 = arith.cmpi slt, %add3A_108, %lt3A_109 : i32
      %convert_element_type3A_111 = arith.extui %lt3A_110 : i1 to i32
      %cond3A_112 = arith.constant 0 : i32
      %cond3A_113 = arith.cmpi ne, %convert_element_type3A_111, %cond3A_112 : i32
      scf.if %cond3A_113 {
        %add3A_288 = arith.constant 4 : i32
        %add3A_289 = arith.addi %add3A_86, %add3A_288 : i32
        %mul3A_290 = arith.constant 64 : i32
        %mul3A_291 = arith.muli %add3A_289, %mul3A_290 : i32
        %multiple_of3A_292 = tpu.assume_multiple %mul3A_291, 64 : i32
        %dma_start3A_293 = tpu.memref_slice %arg5[%multiple_of3A_292] : memref<25600xi32, #tpu.memory_space<vmem>> -> memref<64xi32, #tpu.memory_space<vmem>>
        %dma_start3A_294 = arith.constant 0 : i32
        %dma_start3A_295 = arith.constant 0 : i32
        %dma_start3A_296 = tpu.memref_slice %arg3[%dma_start3A_294, %dma_start3A_295] : memref<1000000x128xf32, #tpu.memory_space<hbm>> -> memref<1000000x128xf32, #tpu.memory_space<hbm>>
        tpu.enqueue_indirect_dma source(%dma_start3A_296 : memref<1000000x128xf32, #tpu.memory_space<hbm>>) target(%arg11 : memref<64x128xf32, #tpu.memory_space<vmem>>) offsets(%dma_start3A_293 : memref<64xi32, #tpu.memory_space<vmem>>) semaphore(%arg19 : memref<!tpu.dma_semaphore, #tpu.memory_space<semaphore_mem>>)
      } else {
      }
      %add3A_114 = arith.constant 2 : i32
      %add3A_115 = arith.addi %mul3A_59, %add3A_114 : i32
      %mul3A_116 = arith.constant 64 : i32
      %mul3A_117 = arith.muli %add3A_115, %mul3A_116 : i32
      %multiple_of3A_118 = tpu.assume_multiple %mul3A_117, 64 : i32
      %dma_wait3A_119 = tpu.memref_slice %arg5[%multiple_of3A_118] : memref<25600xi32, #tpu.memory_space<vmem>> -> memref<64xi32, #tpu.memory_space<vmem>>
      %dma_wait3A_120 = arith.constant 0 : i32
      %dma_wait3A_121 = arith.constant 0 : i32
      %dma_wait3A_122 = tpu.memref_slice %arg3[%dma_wait3A_120, %dma_wait3A_121] : memref<1000000x128xf32, #tpu.memory_space<hbm>> -> memref<1000000x128xf32, #tpu.memory_space<hbm>>
      tpu.wait_indirect_dma semaphore(%arg16 : memref<!tpu.dma_semaphore, #tpu.memory_space<semaphore_mem>>) src(%dma_wait3A_122 : memref<1000000x128xf32, #tpu.memory_space<hbm>>) dst(%arg8 : memref<64x128xf32, #tpu.memory_space<vmem>>)
      %mul3A_123 = arith.constant 64 : i32
      %mul3A_124 = arith.muli %add3A_115, %mul3A_123 : i32
      %multiple_of3A_125 = tpu.assume_multiple %mul3A_124, 64 : i32
      %add3A_126 = arith.addi %mul3A_2, %multiple_of3A_125 : i32
      %dma_start3A_127 = arith.constant 0 : i32
      %dma_start3A_128 = tpu.memref_slice %arg4[%add3A_126, %dma_start3A_127] : memref<819200x128xf32, #tpu.memory_space<hbm>> -> memref<64x128xf32, #tpu.memory_space<hbm>>
      %dma_start3A_129 = arith.constant 0 : i32
      %dma_start3A_130 = tpu.memref_slice %arg4[%add3A_126, %dma_start3A_129] : memref<819200x128xf32, #tpu.memory_space<hbm>> -> memref<64x128xf32, #tpu.memory_space<hbm>>
      tpu.enqueue_dma source(%arg8 : memref<64x128xf32, #tpu.memory_space<vmem>>) target(%dma_start3A_130 : memref<64x128xf32, #tpu.memory_space<hbm>>) target_semaphore(%arg24 : memref<!tpu.dma_semaphore, #tpu.memory_space<semaphore_mem>>)
      %ge3A_131 = arith.constant 4 : i32
      %ge3A_132 = arith.cmpi sge, %add3A_115, %ge3A_131 : i32
      %convert_element_type3A_133 = arith.extui %ge3A_132 : i1 to i32
      %cond3A_134 = arith.constant 0 : i32
      %cond3A_135 = arith.cmpi ne, %convert_element_type3A_133, %cond3A_134 : i32
      scf.if %cond3A_135 {
        %sub3A = arith.constant 4 : i32
        %sub3A_288 = arith.subi %add3A_115, %sub3A : i32
        %mul3A_289 = arith.constant 64 : i32
        %mul3A_290 = arith.muli %sub3A_288, %mul3A_289 : i32
        %multiple_of3A_291 = tpu.assume_multiple %mul3A_290, 64 : i32
        %add3A_292 = arith.addi %mul3A_2, %multiple_of3A_291 : i32
        %dma_wait3A_293 = arith.constant 0 : i32
        %dma_wait3A_294 = tpu.memref_slice %arg4[%add3A_292, %dma_wait3A_293] : memref<819200x128xf32, #tpu.memory_space<hbm>> -> memref<64x128xf32, #tpu.memory_space<hbm>>
        %dma_wait3A_295 = arith.constant 0 : i32
        %dma_wait3A_296 = tpu.memref_slice %arg4[%add3A_292, %dma_wait3A_295] : memref<819200x128xf32, #tpu.memory_space<hbm>> -> memref<64x128xf32, #tpu.memory_space<hbm>>
        tpu.wait_dma2 semaphore(%arg28 : memref<!tpu.dma_semaphore, #tpu.memory_space<semaphore_mem>>) src(%arg12 : memref<64x128xf32, #tpu.memory_space<vmem>>) dst(%dma_wait3A_296 : memref<64x128xf32, #tpu.memory_space<hbm>>)
      } else {
      }
      %add3A_136 = arith.constant 4 : i32
      %add3A_137 = arith.addi %add3A_115, %add3A_136 : i32
      %lt3A_138 = arith.constant 400 : i32
      %lt3A_139 = arith.cmpi slt, %add3A_137, %lt3A_138 : i32
      %convert_element_type3A_140 = arith.extui %lt3A_139 : i1 to i32
      %cond3A_141 = arith.constant 0 : i32
      %cond3A_142 = arith.cmpi ne, %convert_element_type3A_140, %cond3A_141 : i32
      scf.if %cond3A_142 {
        %add3A_288 = arith.constant 4 : i32
        %add3A_289 = arith.addi %add3A_115, %add3A_288 : i32
        %mul3A_290 = arith.constant 64 : i32
        %mul3A_291 = arith.muli %add3A_289, %mul3A_290 : i32
        %multiple_of3A_292 = tpu.assume_multiple %mul3A_291, 64 : i32
        %dma_start3A_293 = tpu.memref_slice %arg5[%multiple_of3A_292] : memref<25600xi32, #tpu.memory_space<vmem>> -> memref<64xi32, #tpu.memory_space<vmem>>
        %dma_start3A_294 = arith.constant 0 : i32
        %dma_start3A_295 = arith.constant 0 : i32
        %dma_start3A_296 = tpu.memref_slice %arg3[%dma_start3A_294, %dma_start3A_295] : memref<1000000x128xf32, #tpu.memory_space<hbm>> -> memref<1000000x128xf32, #tpu.memory_space<hbm>>
        tpu.enqueue_indirect_dma source(%dma_start3A_296 : memref<1000000x128xf32, #tpu.memory_space<hbm>>) target(%arg12 : memref<64x128xf32, #tpu.memory_space<vmem>>) offsets(%dma_start3A_293 : memref<64xi32, #tpu.memory_space<vmem>>) semaphore(%arg20 : memref<!tpu.dma_semaphore, #tpu.memory_space<semaphore_mem>>)
      } else {
      }
      %add3A_143 = arith.constant 3 : i32
      %add3A_144 = arith.addi %mul3A_59, %add3A_143 : i32
      %mul3A_145 = arith.constant 64 : i32
      %mul3A_146 = arith.muli %add3A_144, %mul3A_145 : i32
      %multiple_of3A_147 = tpu.assume_multiple %mul3A_146, 64 : i32
      %dma_wait3A_148 = tpu.memref_slice %arg5[%multiple_of3A_147] : memref<25600xi32, #tpu.memory_space<vmem>> -> memref<64xi32, #tpu.memory_space<vmem>>
      %dma_wait3A_149 = arith.constant 0 : i32
      %dma_wait3A_150 = arith.constant 0 : i32
      %dma_wait3A_151 = tpu.memref_slice %arg3[%dma_wait3A_149, %dma_wait3A_150] : memref<1000000x128xf32, #tpu.memory_space<hbm>> -> memref<1000000x128xf32, #tpu.memory_space<hbm>>
      tpu.wait_indirect_dma semaphore(%arg17 : memref<!tpu.dma_semaphore, #tpu.memory_space<semaphore_mem>>) src(%dma_wait3A_151 : memref<1000000x128xf32, #tpu.memory_space<hbm>>) dst(%arg9 : memref<64x128xf32, #tpu.memory_space<vmem>>)
      %mul3A_152 = arith.constant 64 : i32
      %mul3A_153 = arith.muli %add3A_144, %mul3A_152 : i32
      %multiple_of3A_154 = tpu.assume_multiple %mul3A_153, 64 : i32
      %add3A_155 = arith.addi %mul3A_2, %multiple_of3A_154 : i32
      %dma_start3A_156 = arith.constant 0 : i32
      %dma_start3A_157 = tpu.memref_slice %arg4[%add3A_155, %dma_start3A_156] : memref<819200x128xf32, #tpu.memory_space<hbm>> -> memref<64x128xf32, #tpu.memory_space<hbm>>
      %dma_start3A_158 = arith.constant 0 : i32
      %dma_start3A_159 = tpu.memref_slice %arg4[%add3A_155, %dma_start3A_158] : memref<819200x128xf32, #tpu.memory_space<hbm>> -> memref<64x128xf32, #tpu.memory_space<hbm>>
      tpu.enqueue_dma source(%arg9 : memref<64x128xf32, #tpu.memory_space<vmem>>) target(%dma_start3A_159 : memref<64x128xf32, #tpu.memory_space<hbm>>) target_semaphore(%arg25 : memref<!tpu.dma_semaphore, #tpu.memory_space<semaphore_mem>>)
      %ge3A_160 = arith.constant 4 : i32
      %ge3A_161 = arith.cmpi sge, %add3A_144, %ge3A_160 : i32
      %convert_element_type3A_162 = arith.extui %ge3A_161 : i1 to i32
      %cond3A_163 = arith.constant 0 : i32
      %cond3A_164 = arith.cmpi ne, %convert_element_type3A_162, %cond3A_163 : i32
      scf.if %cond3A_164 {
        %sub3A = arith.constant 4 : i32
        %sub3A_288 = arith.subi %add3A_144, %sub3A : i32
        %mul3A_289 = arith.constant 64 : i32
        %mul3A_290 = arith.muli %sub3A_288, %mul3A_289 : i32
        %multiple_of3A_291 = tpu.assume_multiple %mul3A_290, 64 : i32
        %add3A_292 = arith.addi %mul3A_2, %multiple_of3A_291 : i32
        %dma_wait3A_293 = arith.constant 0 : i32
        %dma_wait3A_294 = tpu.memref_slice %arg4[%add3A_292, %dma_wait3A_293] : memref<819200x128xf32, #tpu.memory_space<hbm>> -> memref<64x128xf32, #tpu.memory_space<hbm>>
        %dma_wait3A_295 = arith.constant 0 : i32
        %dma_wait3A_296 = tpu.memref_slice %arg4[%add3A_292, %dma_wait3A_295] : memref<819200x128xf32, #tpu.memory_space<hbm>> -> memref<64x128xf32, #tpu.memory_space<hbm>>
        tpu.wait_dma2 semaphore(%arg29 : memref<!tpu.dma_semaphore, #tpu.memory_space<semaphore_mem>>) src(%arg13 : memref<64x128xf32, #tpu.memory_space<vmem>>) dst(%dma_wait3A_296 : memref<64x128xf32, #tpu.memory_space<hbm>>)
      } else {
      }
      %add3A_165 = arith.constant 4 : i32
      %add3A_166 = arith.addi %add3A_144, %add3A_165 : i32
      %lt3A_167 = arith.constant 400 : i32
      %lt3A_168 = arith.cmpi slt, %add3A_166, %lt3A_167 : i32
      %convert_element_type3A_169 = arith.extui %lt3A_168 : i1 to i32
      %cond3A_170 = arith.constant 0 : i32
      %cond3A_171 = arith.cmpi ne, %convert_element_type3A_169, %cond3A_170 : i32
      scf.if %cond3A_171 {
        %add3A_288 = arith.constant 4 : i32
        %add3A_289 = arith.addi %add3A_144, %add3A_288 : i32
        %mul3A_290 = arith.constant 64 : i32
        %mul3A_291 = arith.muli %add3A_289, %mul3A_290 : i32
        %multiple_of3A_292 = tpu.assume_multiple %mul3A_291, 64 : i32
        %dma_start3A_293 = tpu.memref_slice %arg5[%multiple_of3A_292] : memref<25600xi32, #tpu.memory_space<vmem>> -> memref<64xi32, #tpu.memory_space<vmem>>
        %dma_start3A_294 = arith.constant 0 : i32
        %dma_start3A_295 = arith.constant 0 : i32
        %dma_start3A_296 = tpu.memref_slice %arg3[%dma_start3A_294, %dma_start3A_295] : memref<1000000x128xf32, #tpu.memory_space<hbm>> -> memref<1000000x128xf32, #tpu.memory_space<hbm>>
        tpu.enqueue_indirect_dma source(%dma_start3A_296 : memref<1000000x128xf32, #tpu.memory_space<hbm>>) target(%arg13 : memref<64x128xf32, #tpu.memory_space<vmem>>) offsets(%dma_start3A_293 : memref<64xi32, #tpu.memory_space<vmem>>) semaphore(%arg21 : memref<!tpu.dma_semaphore, #tpu.memory_space<semaphore_mem>>)
      } else {
      }
      %add3A_172 = arith.constant 4 : i32
      %add3A_173 = arith.addi %mul3A_59, %add3A_172 : i32
      %mul3A_174 = arith.constant 64 : i32
      %mul3A_175 = arith.muli %add3A_173, %mul3A_174 : i32
      %multiple_of3A_176 = tpu.assume_multiple %mul3A_175, 64 : i32
      %dma_wait3A_177 = tpu.memref_slice %arg5[%multiple_of3A_176] : memref<25600xi32, #tpu.memory_space<vmem>> -> memref<64xi32, #tpu.memory_space<vmem>>
      %dma_wait3A_178 = arith.constant 0 : i32
      %dma_wait3A_179 = arith.constant 0 : i32
      %dma_wait3A_180 = tpu.memref_slice %arg3[%dma_wait3A_178, %dma_wait3A_179] : memref<1000000x128xf32, #tpu.memory_space<hbm>> -> memref<1000000x128xf32, #tpu.memory_space<hbm>>
      tpu.wait_indirect_dma semaphore(%arg18 : memref<!tpu.dma_semaphore, #tpu.memory_space<semaphore_mem>>) src(%dma_wait3A_180 : memref<1000000x128xf32, #tpu.memory_space<hbm>>) dst(%arg10 : memref<64x128xf32, #tpu.memory_space<vmem>>)
      %mul3A_181 = arith.constant 64 : i32
      %mul3A_182 = arith.muli %add3A_173, %mul3A_181 : i32
      %multiple_of3A_183 = tpu.assume_multiple %mul3A_182, 64 : i32
      %add3A_184 = arith.addi %mul3A_2, %multiple_of3A_183 : i32
      %dma_start3A_185 = arith.constant 0 : i32
      %dma_start3A_186 = tpu.memref_slice %arg4[%add3A_184, %dma_start3A_185] : memref<819200x128xf32, #tpu.memory_space<hbm>> -> memref<64x128xf32, #tpu.memory_space<hbm>>
      %dma_start3A_187 = arith.constant 0 : i32
      %dma_start3A_188 = tpu.memref_slice %arg4[%add3A_184, %dma_start3A_187] : memref<819200x128xf32, #tpu.memory_space<hbm>> -> memref<64x128xf32, #tpu.memory_space<hbm>>
      tpu.enqueue_dma source(%arg10 : memref<64x128xf32, #tpu.memory_space<vmem>>) target(%dma_start3A_188 : memref<64x128xf32, #tpu.memory_space<hbm>>) target_semaphore(%arg26 : memref<!tpu.dma_semaphore, #tpu.memory_space<semaphore_mem>>)
      %ge3A_189 = arith.constant 4 : i32
      %ge3A_190 = arith.cmpi sge, %add3A_173, %ge3A_189 : i32
      %convert_element_type3A_191 = arith.extui %ge3A_190 : i1 to i32
      %cond3A_192 = arith.constant 0 : i32
      %cond3A_193 = arith.cmpi ne, %convert_element_type3A_191, %cond3A_192 : i32
      scf.if %cond3A_193 {
        %sub3A = arith.constant 4 : i32
        %sub3A_288 = arith.subi %add3A_173, %sub3A : i32
        %mul3A_289 = arith.constant 64 : i32
        %mul3A_290 = arith.muli %sub3A_288, %mul3A_289 : i32
        %multiple_of3A_291 = tpu.assume_multiple %mul3A_290, 64 : i32
        %add3A_292 = arith.addi %mul3A_2, %multiple_of3A_291 : i32
        %dma_wait3A_293 = arith.constant 0 : i32
        %dma_wait3A_294 = tpu.memref_slice %arg4[%add3A_292, %dma_wait3A_293] : memref<819200x128xf32, #tpu.memory_space<hbm>> -> memref<64x128xf32, #tpu.memory_space<hbm>>
        %dma_wait3A_295 = arith.constant 0 : i32
        %dma_wait3A_296 = tpu.memref_slice %arg4[%add3A_292, %dma_wait3A_295] : memref<819200x128xf32, #tpu.memory_space<hbm>> -> memref<64x128xf32, #tpu.memory_space<hbm>>
        tpu.wait_dma2 semaphore(%arg22 : memref<!tpu.dma_semaphore, #tpu.memory_space<semaphore_mem>>) src(%arg6 : memref<64x128xf32, #tpu.memory_space<vmem>>) dst(%dma_wait3A_296 : memref<64x128xf32, #tpu.memory_space<hbm>>)
      } else {
      }
      %add3A_194 = arith.constant 4 : i32
      %add3A_195 = arith.addi %add3A_173, %add3A_194 : i32
      %lt3A_196 = arith.constant 400 : i32
      %lt3A_197 = arith.cmpi slt, %add3A_195, %lt3A_196 : i32
      %convert_element_type3A_198 = arith.extui %lt3A_197 : i1 to i32
      %cond3A_199 = arith.constant 0 : i32
      %cond3A_200 = arith.cmpi ne, %convert_element_type3A_198, %cond3A_199 : i32
      scf.if %cond3A_200 {
        %add3A_288 = arith.constant 4 : i32
        %add3A_289 = arith.addi %add3A_173, %add3A_288 : i32
        %mul3A_290 = arith.constant 64 : i32
        %mul3A_291 = arith.muli %add3A_289, %mul3A_290 : i32
        %multiple_of3A_292 = tpu.assume_multiple %mul3A_291, 64 : i32
        %dma_start3A_293 = tpu.memref_slice %arg5[%multiple_of3A_292] : memref<25600xi32, #tpu.memory_space<vmem>> -> memref<64xi32, #tpu.memory_space<vmem>>
        %dma_start3A_294 = arith.constant 0 : i32
        %dma_start3A_295 = arith.constant 0 : i32
        %dma_start3A_296 = tpu.memref_slice %arg3[%dma_start3A_294, %dma_start3A_295] : memref<1000000x128xf32, #tpu.memory_space<hbm>> -> memref<1000000x128xf32, #tpu.memory_space<hbm>>
        tpu.enqueue_indirect_dma source(%dma_start3A_296 : memref<1000000x128xf32, #tpu.memory_space<hbm>>) target(%arg6 : memref<64x128xf32, #tpu.memory_space<vmem>>) offsets(%dma_start3A_293 : memref<64xi32, #tpu.memory_space<vmem>>) semaphore(%arg14 : memref<!tpu.dma_semaphore, #tpu.memory_space<semaphore_mem>>)
      } else {
      }
      %add3A_201 = arith.constant 5 : i32
      %add3A_202 = arith.addi %mul3A_59, %add3A_201 : i32
      %mul3A_203 = arith.constant 64 : i32
      %mul3A_204 = arith.muli %add3A_202, %mul3A_203 : i32
      %multiple_of3A_205 = tpu.assume_multiple %mul3A_204, 64 : i32
      %dma_wait3A_206 = tpu.memref_slice %arg5[%multiple_of3A_205] : memref<25600xi32, #tpu.memory_space<vmem>> -> memref<64xi32, #tpu.memory_space<vmem>>
      %dma_wait3A_207 = arith.constant 0 : i32
      %dma_wait3A_208 = arith.constant 0 : i32
      %dma_wait3A_209 = tpu.memref_slice %arg3[%dma_wait3A_207, %dma_wait3A_208] : memref<1000000x128xf32, #tpu.memory_space<hbm>> -> memref<1000000x128xf32, #tpu.memory_space<hbm>>
      tpu.wait_indirect_dma semaphore(%arg19 : memref<!tpu.dma_semaphore, #tpu.memory_space<semaphore_mem>>) src(%dma_wait3A_209 : memref<1000000x128xf32, #tpu.memory_space<hbm>>) dst(%arg11 : memref<64x128xf32, #tpu.memory_space<vmem>>)
      %mul3A_210 = arith.constant 64 : i32
      %mul3A_211 = arith.muli %add3A_202, %mul3A_210 : i32
      %multiple_of3A_212 = tpu.assume_multiple %mul3A_211, 64 : i32
      %add3A_213 = arith.addi %mul3A_2, %multiple_of3A_212 : i32
      %dma_start3A_214 = arith.constant 0 : i32
      %dma_start3A_215 = tpu.memref_slice %arg4[%add3A_213, %dma_start3A_214] : memref<819200x128xf32, #tpu.memory_space<hbm>> -> memref<64x128xf32, #tpu.memory_space<hbm>>
      %dma_start3A_216 = arith.constant 0 : i32
      %dma_start3A_217 = tpu.memref_slice %arg4[%add3A_213, %dma_start3A_216] : memref<819200x128xf32, #tpu.memory_space<hbm>> -> memref<64x128xf32, #tpu.memory_space<hbm>>
      tpu.enqueue_dma source(%arg11 : memref<64x128xf32, #tpu.memory_space<vmem>>) target(%dma_start3A_217 : memref<64x128xf32, #tpu.memory_space<hbm>>) target_semaphore(%arg27 : memref<!tpu.dma_semaphore, #tpu.memory_space<semaphore_mem>>)
      %ge3A_218 = arith.constant 4 : i32
      %ge3A_219 = arith.cmpi sge, %add3A_202, %ge3A_218 : i32
      %convert_element_type3A_220 = arith.extui %ge3A_219 : i1 to i32
      %cond3A_221 = arith.constant 0 : i32
      %cond3A_222 = arith.cmpi ne, %convert_element_type3A_220, %cond3A_221 : i32
      scf.if %cond3A_222 {
        %sub3A = arith.constant 4 : i32
        %sub3A_288 = arith.subi %add3A_202, %sub3A : i32
        %mul3A_289 = arith.constant 64 : i32
        %mul3A_290 = arith.muli %sub3A_288, %mul3A_289 : i32
        %multiple_of3A_291 = tpu.assume_multiple %mul3A_290, 64 : i32
        %add3A_292 = arith.addi %mul3A_2, %multiple_of3A_291 : i32
        %dma_wait3A_293 = arith.constant 0 : i32
        %dma_wait3A_294 = tpu.memref_slice %arg4[%add3A_292, %dma_wait3A_293] : memref<819200x128xf32, #tpu.memory_space<hbm>> -> memref<64x128xf32, #tpu.memory_space<hbm>>
        %dma_wait3A_295 = arith.constant 0 : i32
        %dma_wait3A_296 = tpu.memref_slice %arg4[%add3A_292, %dma_wait3A_295] : memref<819200x128xf32, #tpu.memory_space<hbm>> -> memref<64x128xf32, #tpu.memory_space<hbm>>
        tpu.wait_dma2 semaphore(%arg23 : memref<!tpu.dma_semaphore, #tpu.memory_space<semaphore_mem>>) src(%arg7 : memref<64x128xf32, #tpu.memory_space<vmem>>) dst(%dma_wait3A_296 : memref<64x128xf32, #tpu.memory_space<hbm>>)
      } else {
      }
      %add3A_223 = arith.constant 4 : i32
      %add3A_224 = arith.addi %add3A_202, %add3A_223 : i32
      %lt3A_225 = arith.constant 400 : i32
      %lt3A_226 = arith.cmpi slt, %add3A_224, %lt3A_225 : i32
      %convert_element_type3A_227 = arith.extui %lt3A_226 : i1 to i32
      %cond3A_228 = arith.constant 0 : i32
      %cond3A_229 = arith.cmpi ne, %convert_element_type3A_227, %cond3A_228 : i32
      scf.if %cond3A_229 {
        %add3A_288 = arith.constant 4 : i32
        %add3A_289 = arith.addi %add3A_202, %add3A_288 : i32
        %mul3A_290 = arith.constant 64 : i32
        %mul3A_291 = arith.muli %add3A_289, %mul3A_290 : i32
        %multiple_of3A_292 = tpu.assume_multiple %mul3A_291, 64 : i32
        %dma_start3A_293 = tpu.memref_slice %arg5[%multiple_of3A_292] : memref<25600xi32, #tpu.memory_space<vmem>> -> memref<64xi32, #tpu.memory_space<vmem>>
        %dma_start3A_294 = arith.constant 0 : i32
        %dma_start3A_295 = arith.constant 0 : i32
        %dma_start3A_296 = tpu.memref_slice %arg3[%dma_start3A_294, %dma_start3A_295] : memref<1000000x128xf32, #tpu.memory_space<hbm>> -> memref<1000000x128xf32, #tpu.memory_space<hbm>>
        tpu.enqueue_indirect_dma source(%dma_start3A_296 : memref<1000000x128xf32, #tpu.memory_space<hbm>>) target(%arg7 : memref<64x128xf32, #tpu.memory_space<vmem>>) offsets(%dma_start3A_293 : memref<64xi32, #tpu.memory_space<vmem>>) semaphore(%arg15 : memref<!tpu.dma_semaphore, #tpu.memory_space<semaphore_mem>>)
      } else {
      }
      %add3A_230 = arith.constant 6 : i32
      %add3A_231 = arith.addi %mul3A_59, %add3A_230 : i32
      %mul3A_232 = arith.constant 64 : i32
      %mul3A_233 = arith.muli %add3A_231, %mul3A_232 : i32
      %multiple_of3A_234 = tpu.assume_multiple %mul3A_233, 64 : i32
      %dma_wait3A_235 = tpu.memref_slice %arg5[%multiple_of3A_234] : memref<25600xi32, #tpu.memory_space<vmem>> -> memref<64xi32, #tpu.memory_space<vmem>>
      %dma_wait3A_236 = arith.constant 0 : i32
      %dma_wait3A_237 = arith.constant 0 : i32
      %dma_wait3A_238 = tpu.memref_slice %arg3[%dma_wait3A_236, %dma_wait3A_237] : memref<1000000x128xf32, #tpu.memory_space<hbm>> -> memref<1000000x128xf32, #tpu.memory_space<hbm>>
      tpu.wait_indirect_dma semaphore(%arg20 : memref<!tpu.dma_semaphore, #tpu.memory_space<semaphore_mem>>) src(%dma_wait3A_238 : memref<1000000x128xf32, #tpu.memory_space<hbm>>) dst(%arg12 : memref<64x128xf32, #tpu.memory_space<vmem>>)
      %mul3A_239 = arith.constant 64 : i32
      %mul3A_240 = arith.muli %add3A_231, %mul3A_239 : i32
      %multiple_of3A_241 = tpu.assume_multiple %mul3A_240, 64 : i32
      %add3A_242 = arith.addi %mul3A_2, %multiple_of3A_241 : i32
      %dma_start3A_243 = arith.constant 0 : i32
      %dma_start3A_244 = tpu.memref_slice %arg4[%add3A_242, %dma_start3A_243] : memref<819200x128xf32, #tpu.memory_space<hbm>> -> memref<64x128xf32, #tpu.memory_space<hbm>>
      %dma_start3A_245 = arith.constant 0 : i32
      %dma_start3A_246 = tpu.memref_slice %arg4[%add3A_242, %dma_start3A_245] : memref<819200x128xf32, #tpu.memory_space<hbm>> -> memref<64x128xf32, #tpu.memory_space<hbm>>
      tpu.enqueue_dma source(%arg12 : memref<64x128xf32, #tpu.memory_space<vmem>>) target(%dma_start3A_246 : memref<64x128xf32, #tpu.memory_space<hbm>>) target_semaphore(%arg28 : memref<!tpu.dma_semaphore, #tpu.memory_space<semaphore_mem>>)
      %ge3A_247 = arith.constant 4 : i32
      %ge3A_248 = arith.cmpi sge, %add3A_231, %ge3A_247 : i32
      %convert_element_type3A_249 = arith.extui %ge3A_248 : i1 to i32
      %cond3A_250 = arith.constant 0 : i32
      %cond3A_251 = arith.cmpi ne, %convert_element_type3A_249, %cond3A_250 : i32
      scf.if %cond3A_251 {
        %sub3A = arith.constant 4 : i32
        %sub3A_288 = arith.subi %add3A_231, %sub3A : i32
        %mul3A_289 = arith.constant 64 : i32
        %mul3A_290 = arith.muli %sub3A_288, %mul3A_289 : i32
        %multiple_of3A_291 = tpu.assume_multiple %mul3A_290, 64 : i32
        %add3A_292 = arith.addi %mul3A_2, %multiple_of3A_291 : i32
        %dma_wait3A_293 = arith.constant 0 : i32
        %dma_wait3A_294 = tpu.memref_slice %arg4[%add3A_292, %dma_wait3A_293] : memref<819200x128xf32, #tpu.memory_space<hbm>> -> memref<64x128xf32, #tpu.memory_space<hbm>>
        %dma_wait3A_295 = arith.constant 0 : i32
        %dma_wait3A_296 = tpu.memref_slice %arg4[%add3A_292, %dma_wait3A_295] : memref<819200x128xf32, #tpu.memory_space<hbm>> -> memref<64x128xf32, #tpu.memory_space<hbm>>
        tpu.wait_dma2 semaphore(%arg24 : memref<!tpu.dma_semaphore, #tpu.memory_space<semaphore_mem>>) src(%arg8 : memref<64x128xf32, #tpu.memory_space<vmem>>) dst(%dma_wait3A_296 : memref<64x128xf32, #tpu.memory_space<hbm>>)
      } else {
      }
      %add3A_252 = arith.constant 4 : i32
      %add3A_253 = arith.addi %add3A_231, %add3A_252 : i32
      %lt3A_254 = arith.constant 400 : i32
      %lt3A_255 = arith.cmpi slt, %add3A_253, %lt3A_254 : i32
      %convert_element_type3A_256 = arith.extui %lt3A_255 : i1 to i32
      %cond3A_257 = arith.constant 0 : i32
      %cond3A_258 = arith.cmpi ne, %convert_element_type3A_256, %cond3A_257 : i32
      scf.if %cond3A_258 {
        %add3A_288 = arith.constant 4 : i32
        %add3A_289 = arith.addi %add3A_231, %add3A_288 : i32
        %mul3A_290 = arith.constant 64 : i32
        %mul3A_291 = arith.muli %add3A_289, %mul3A_290 : i32
        %multiple_of3A_292 = tpu.assume_multiple %mul3A_291, 64 : i32
        %dma_start3A_293 = tpu.memref_slice %arg5[%multiple_of3A_292] : memref<25600xi32, #tpu.memory_space<vmem>> -> memref<64xi32, #tpu.memory_space<vmem>>
        %dma_start3A_294 = arith.constant 0 : i32
        %dma_start3A_295 = arith.constant 0 : i32
        %dma_start3A_296 = tpu.memref_slice %arg3[%dma_start3A_294, %dma_start3A_295] : memref<1000000x128xf32, #tpu.memory_space<hbm>> -> memref<1000000x128xf32, #tpu.memory_space<hbm>>
        tpu.enqueue_indirect_dma source(%dma_start3A_296 : memref<1000000x128xf32, #tpu.memory_space<hbm>>) target(%arg8 : memref<64x128xf32, #tpu.memory_space<vmem>>) offsets(%dma_start3A_293 : memref<64xi32, #tpu.memory_space<vmem>>) semaphore(%arg16 : memref<!tpu.dma_semaphore, #tpu.memory_space<semaphore_mem>>)
      } else {
      }
      %add3A_259 = arith.constant 7 : i32
      %add3A_260 = arith.addi %mul3A_59, %add3A_259 : i32
      %mul3A_261 = arith.constant 64 : i32
      %mul3A_262 = arith.muli %add3A_260, %mul3A_261 : i32
      %multiple_of3A_263 = tpu.assume_multiple %mul3A_262, 64 : i32
      %dma_wait3A_264 = tpu.memref_slice %arg5[%multiple_of3A_263] : memref<25600xi32, #tpu.memory_space<vmem>> -> memref<64xi32, #tpu.memory_space<vmem>>
      %dma_wait3A_265 = arith.constant 0 : i32
      %dma_wait3A_266 = arith.constant 0 : i32
      %dma_wait3A_267 = tpu.memref_slice %arg3[%dma_wait3A_265, %dma_wait3A_266] : memref<1000000x128xf32, #tpu.memory_space<hbm>> -> memref<1000000x128xf32, #tpu.memory_space<hbm>>
      tpu.wait_indirect_dma semaphore(%arg21 : memref<!tpu.dma_semaphore, #tpu.memory_space<semaphore_mem>>) src(%dma_wait3A_267 : memref<1000000x128xf32, #tpu.memory_space<hbm>>) dst(%arg13 : memref<64x128xf32, #tpu.memory_space<vmem>>)
      %mul3A_268 = arith.constant 64 : i32
      %mul3A_269 = arith.muli %add3A_260, %mul3A_268 : i32
      %multiple_of3A_270 = tpu.assume_multiple %mul3A_269, 64 : i32
      %add3A_271 = arith.addi %mul3A_2, %multiple_of3A_270 : i32
      %dma_start3A_272 = arith.constant 0 : i32
      %dma_start3A_273 = tpu.memref_slice %arg4[%add3A_271, %dma_start3A_272] : memref<819200x128xf32, #tpu.memory_space<hbm>> -> memref<64x128xf32, #tpu.memory_space<hbm>>
      %dma_start3A_274 = arith.constant 0 : i32
      %dma_start3A_275 = tpu.memref_slice %arg4[%add3A_271, %dma_start3A_274] : memref<819200x128xf32, #tpu.memory_space<hbm>> -> memref<64x128xf32, #tpu.memory_space<hbm>>
      tpu.enqueue_dma source(%arg13 : memref<64x128xf32, #tpu.memory_space<vmem>>) target(%dma_start3A_275 : memref<64x128xf32, #tpu.memory_space<hbm>>) target_semaphore(%arg29 : memref<!tpu.dma_semaphore, #tpu.memory_space<semaphore_mem>>)
      %ge3A_276 = arith.constant 4 : i32
      %ge3A_277 = arith.cmpi sge, %add3A_260, %ge3A_276 : i32
      %convert_element_type3A_278 = arith.extui %ge3A_277 : i1 to i32
      %cond3A_279 = arith.constant 0 : i32
      %cond3A_280 = arith.cmpi ne, %convert_element_type3A_278, %cond3A_279 : i32
      scf.if %cond3A_280 {
        %sub3A = arith.constant 4 : i32
        %sub3A_288 = arith.subi %add3A_260, %sub3A : i32
        %mul3A_289 = arith.constant 64 : i32
        %mul3A_290 = arith.muli %sub3A_288, %mul3A_289 : i32
        %multiple_of3A_291 = tpu.assume_multiple %mul3A_290, 64 : i32
        %add3A_292 = arith.addi %mul3A_2, %multiple_of3A_291 : i32
        %dma_wait3A_293 = arith.constant 0 : i32
        %dma_wait3A_294 = tpu.memref_slice %arg4[%add3A_292, %dma_wait3A_293] : memref<819200x128xf32, #tpu.memory_space<hbm>> -> memref<64x128xf32, #tpu.memory_space<hbm>>
        %dma_wait3A_295 = arith.constant 0 : i32
        %dma_wait3A_296 = tpu.memref_slice %arg4[%add3A_292, %dma_wait3A_295] : memref<819200x128xf32, #tpu.memory_space<hbm>> -> memref<64x128xf32, #tpu.memory_space<hbm>>
        tpu.wait_dma2 semaphore(%arg25 : memref<!tpu.dma_semaphore, #tpu.memory_space<semaphore_mem>>) src(%arg9 : memref<64x128xf32, #tpu.memory_space<vmem>>) dst(%dma_wait3A_296 : memref<64x128xf32, #tpu.memory_space<hbm>>)
      } else {
      }
      %add3A_281 = arith.constant 4 : i32
      %add3A_282 = arith.addi %add3A_260, %add3A_281 : i32
      %lt3A_283 = arith.constant 400 : i32
      %lt3A_284 = arith.cmpi slt, %add3A_282, %lt3A_283 : i32
      %convert_element_type3A_285 = arith.extui %lt3A_284 : i1 to i32
      %cond3A_286 = arith.constant 0 : i32
      %cond3A_287 = arith.cmpi ne, %convert_element_type3A_285, %cond3A_286 : i32
      scf.if %cond3A_287 {
        %add3A_288 = arith.constant 4 : i32
        %add3A_289 = arith.addi %add3A_260, %add3A_288 : i32
        %mul3A_290 = arith.constant 64 : i32
        %mul3A_291 = arith.muli %add3A_289, %mul3A_290 : i32
        %multiple_of3A_292 = tpu.assume_multiple %mul3A_291, 64 : i32
        %dma_start3A_293 = tpu.memref_slice %arg5[%multiple_of3A_292] : memref<25600xi32, #tpu.memory_space<vmem>> -> memref<64xi32, #tpu.memory_space<vmem>>
        %dma_start3A_294 = arith.constant 0 : i32
        %dma_start3A_295 = arith.constant 0 : i32
        %dma_start3A_296 = tpu.memref_slice %arg3[%dma_start3A_294, %dma_start3A_295] : memref<1000000x128xf32, #tpu.memory_space<hbm>> -> memref<1000000x128xf32, #tpu.memory_space<hbm>>
        tpu.enqueue_indirect_dma source(%dma_start3A_296 : memref<1000000x128xf32, #tpu.memory_space<hbm>>) target(%arg9 : memref<64x128xf32, #tpu.memory_space<vmem>>) offsets(%dma_start3A_293 : memref<64xi32, #tpu.memory_space<vmem>>) semaphore(%arg17 : memref<!tpu.dma_semaphore, #tpu.memory_space<semaphore_mem>>)
      } else {
      }
    }
    %scan3A_29 = arith.constant 50 : i32
    %multiple_of3A_30 = arith.constant 25344 : i32
    %multiple_of3A_31 = tpu.assume_multiple %multiple_of3A_30, 64 : i32
    %add3A_32 = arith.addi %mul3A_2, %multiple_of3A_31 : i32
    %dma_wait3A = arith.constant 0 : i32
    %dma_wait3A_33 = tpu.memref_slice %arg4[%add3A_32, %dma_wait3A] : memref<819200x128xf32, #tpu.memory_space<hbm>> -> memref<64x128xf32, #tpu.memory_space<hbm>>
    %dma_wait3A_34 = arith.constant 0 : i32
    %dma_wait3A_35 = tpu.memref_slice %arg4[%add3A_32, %dma_wait3A_34] : memref<819200x128xf32, #tpu.memory_space<hbm>> -> memref<64x128xf32, #tpu.memory_space<hbm>>
    tpu.wait_dma2 semaphore(%arg26 : memref<!tpu.dma_semaphore, #tpu.memory_space<semaphore_mem>>) src(%arg10 : memref<64x128xf32, #tpu.memory_space<vmem>>) dst(%dma_wait3A_35 : memref<64x128xf32, #tpu.memory_space<hbm>>)
    %multiple_of3A_36 = arith.constant 25408 : i32
    %multiple_of3A_37 = tpu.assume_multiple %multiple_of3A_36, 64 : i32
    %add3A_38 = arith.addi %mul3A_2, %multiple_of3A_37 : i32
    %dma_wait3A_39 = arith.constant 0 : i32
    %dma_wait3A_40 = tpu.memref_slice %arg4[%add3A_38, %dma_wait3A_39] : memref<819200x128xf32, #tpu.memory_space<hbm>> -> memref<64x128xf32, #tpu.memory_space<hbm>>
    %dma_wait3A_41 = arith.constant 0 : i32
    %dma_wait3A_42 = tpu.memref_slice %arg4[%add3A_38, %dma_wait3A_41] : memref<819200x128xf32, #tpu.memory_space<hbm>> -> memref<64x128xf32, #tpu.memory_space<hbm>>
    tpu.wait_dma2 semaphore(%arg27 : memref<!tpu.dma_semaphore, #tpu.memory_space<semaphore_mem>>) src(%arg11 : memref<64x128xf32, #tpu.memory_space<vmem>>) dst(%dma_wait3A_42 : memref<64x128xf32, #tpu.memory_space<hbm>>)
    %multiple_of3A_43 = arith.constant 25472 : i32
    %multiple_of3A_44 = tpu.assume_multiple %multiple_of3A_43, 64 : i32
    %add3A_45 = arith.addi %mul3A_2, %multiple_of3A_44 : i32
    %dma_wait3A_46 = arith.constant 0 : i32
    %dma_wait3A_47 = tpu.memref_slice %arg4[%add3A_45, %dma_wait3A_46] : memref<819200x128xf32, #tpu.memory_space<hbm>> -> memref<64x128xf32, #tpu.memory_space<hbm>>
    %dma_wait3A_48 = arith.constant 0 : i32
    %dma_wait3A_49 = tpu.memref_slice %arg4[%add3A_45, %dma_wait3A_48] : memref<819200x128xf32, #tpu.memory_space<hbm>> -> memref<64x128xf32, #tpu.memory_space<hbm>>
    tpu.wait_dma2 semaphore(%arg28 : memref<!tpu.dma_semaphore, #tpu.memory_space<semaphore_mem>>) src(%arg12 : memref<64x128xf32, #tpu.memory_space<vmem>>) dst(%dma_wait3A_49 : memref<64x128xf32, #tpu.memory_space<hbm>>)
    %multiple_of3A_50 = arith.constant 25536 : i32
    %multiple_of3A_51 = tpu.assume_multiple %multiple_of3A_50, 64 : i32
    %add3A_52 = arith.addi %mul3A_2, %multiple_of3A_51 : i32
    %dma_wait3A_53 = arith.constant 0 : i32
    %dma_wait3A_54 = tpu.memref_slice %arg4[%add3A_52, %dma_wait3A_53] : memref<819200x128xf32, #tpu.memory_space<hbm>> -> memref<64x128xf32, #tpu.memory_space<hbm>>
    %dma_wait3A_55 = arith.constant 0 : i32
    %dma_wait3A_56 = tpu.memref_slice %arg4[%add3A_52, %dma_wait3A_55] : memref<819200x128xf32, #tpu.memory_space<hbm>> -> memref<64x128xf32, #tpu.memory_space<hbm>>
    tpu.wait_dma2 semaphore(%arg29 : memref<!tpu.dma_semaphore, #tpu.memory_space<semaphore_mem>>) src(%arg13 : memref<64x128xf32, #tpu.memory_space<vmem>>) dst(%dma_wait3A_56 : memref<64x128xf32, #tpu.memory_space<hbm>>)
    return
  }
}

</mosaic_0001>

<sc_bundles>
// kernel: kernel.3.cloned.1.call-start
scs
__scs_entry_jumppad:
0x0: {  	(pc) =	sbr.rel $0x88, $3  }
0x1: {  	(tag) =	ssettag $0x0;
	lr =	simm.s32 $0x1  }
0x2: {  	[smem:$0x3F9F] =	sst lr;
	_ =	strace $0xD0000000  }
0x3: {  	_ = 	snop  }
0x4: {  	_ = 	snop  }
0x5: {  	_ = 	snop  }
0x6: {  	_ = 	snop  }
0x7: {  	_ = 	snop  }
__scs_overlays_trampoline_lowered:
0x8: {  	[smem:$0x3FAE] =	sst s0  }
0x9: {  	[smem:$0x3FAF] =	sst s1  }
0xa: {  	[smem:$0x3FB0] =	sst s2  }
0xb: {  	[smem:$0x3FB1] =	sst s3  }
0xc: {  	[smem:$0x3FB2] =	sst s4  }
0xd: {  	[smem:$0x3FB3] =	sst s5  }
0xe: {  	[smem:$0x3FB4] =	sst s6  }
0xf: {  	[smem:$0x3FB5] =	sst s7  }
0x10: {  	[smem:$0x3FB6] =	sst s8  }
0x11: {  	[smem:$0x3FB7] =	sst s9;
	s0 =	simm.s32 @!p0 $0x0  }
0x12: {  	s1 =	sld [smem:$0x3F9D];
	s0 =	simm.s32 @p0 $0x1  }
0x13: {  	[smem:$0x3FB8] =	sst s0;
	s0 =	simm.s32 @!p1 $0x0  }
0x14: {  	s2 =	sld [smem:$0x3F9C];
	s0 =	simm.s32 @p1 $0x1  }
0x15: {  	[smem:$0x3FB9] =	sst s0;
	s0 =	simm.s32 @!p2 $0x0  }
0x16: {  	s3 =	sld [smem:$0x3FDB];
	s0 =	simm.s32 @p2 $0x1  }
0x17: {  	s4 =	simm.s32 $0x1BF5;
	[smem:$0x3FBB] =	sst s0  }
0x18: {  	s0 =	sld [smem:$0x3F9E];
	_ =	swait.ge [sflag:s4], $0x0  }
0x19: {  	s7 =	sld [smem:$0x3F9F]  }
0x1a: {  	s8 =	sadd.s32 $0xFFFFE003, lr  }
0x1b: {  	s9 =	sadd.s32 $0xFFFFFEF7, lr;
	s5 =	simm.s32 $0xFFFFFFFF;
	p2 =	slt.u32 s8, $0xFFFFF086  }
0x1c: {  	p1 =	slt.u32 s9, $0xF7A;
	s5 =	simm.s32 @!p2 $0x0  }
0x1d: {  	s5 =	simm.s32 @p1 $0x1;
	p0 =	seq.s32 s7, s2  }
0x1e: {  	s7 =	smul.u32 @!p0 $0xF7A, s2;
	p2 =	seq.s32 @!p0 s5, $0x0  }
0x1f: {  	s9 =	smul.u32 $0xF7A, s1;
	s8 =	simm.s32 @!p0 $0x1BF5;
	p2 =	por !p2, p0  }
0x20: {  	[sflag:s8] =	ssyncset.s32 @!p0 $0xFFFFF086;
	s6 =	sadd.s32 @!p0 s3, s7;
	s7 =	simm.s32 @!p0 $0x108  }
0x21: {  	s3 =	sadd.s32 s3, s9;
	s6 =	sadd.s32 @!p0 $0x88, s6;
	s7 =	simm.s32 @p2 $0x1082  }
0x22: {  	[simem:s7], [sflag:s8] =	dma.local @!p0 [hbm:s6], $0xF7A  }
0x23: {  	s9 =	sor.u32 $0xD0000000, s2;
	s6 =	simm.s32 $0x108;
	_ =	swait.ge @!p0 [sflag:s8], $0x0  }
0x24: {  	s3 =	sadd.s32 $0x88, s3;
	s6 =	simm.s32 @!p1 $0x1082;
	[sflag:s4] =	ssyncset.s32 $0xFFFFF086  }
0x25: {  	[simem:s6], [sflag:s4] =	dma.local [hbm:s3], $0xF7A  }
0x26: {  	[smem:$0x3F9F] =	sst s1;
	(tag) =	ssettag s2;
	_ =	strace s9  }
0x27: {  	s1 =	sld [smem:$0x3FAF]  }
0x28: {  	s2 =	sld [smem:$0x3FB0]  }
0x29: {  	s4 =	sld [smem:$0x3FB2]  }
0x2a: {  	p0 =	seq.s32 s5, $0x0;
	s5 =	sld [smem:$0x3FB3]  }
0x2b: {  	s6 =	sld [smem:$0x3FB4]  }
0x2c: {  	s7 =	sld [smem:$0x3FB5]  }
0x2d: {  	s3 =	simm.s32 $0x108;
	s8 =	sld [smem:$0x3FB6]  }
0x2e: {  	s3 =	simm.s32 @!p0 $0x1082;
	s9 =	sld [smem:$0x3FB7]  }
0x2f: {  	lr =	sadd.s32 s0, s3;
	s0 =	sld [smem:$0x3FAE]  }
0x30: {  	s3 =	sld [smem:$0x3FB1]  }
0x31: {  	[smem:$0x3FBA] =	sst s10  }
0x32: {  	s10 =	sld [smem:$0x3FB8];
	_ =	sdelay $0x3  }
0x33: {  	p0 =	seq.s32 s10, $0x1;
	s10 =	sld [smem:$0x3FBA];
	_ =	sdelay $0x3  }
0x34: {  	[smem:$0x3FBA] =	sst s10  }
0x35: {  	s10 =	sld [smem:$0x3FB9];
	_ =	sdelay $0x3  }
0x36: {  	p1 =	seq.s32 s10, $0x1;
	s10 =	sld [smem:$0x3FBA];
	_ =	sdelay $0x3  }
0x37: {  	[smem:$0x3FBA] =	sst s10  }
0x38: {  	s10 =	sld [smem:$0x3FBB]  }
0x39: {  	_ = 	snop;
	(pc) =	sbr.ind lr, $3  }
0x3a: {  	_ = 	snop  }
0x3b: {  	_ = 	snop  }
0x3c: {  	p2 =	seq.s32 s10, $0x1;
	s10 =	sld [smem:$0x3FBA]  }
0x3d: {  	_ =	shalt  }
0x3e: {  	_ =	shalt  }
0x3f: {  	_ =	shalt  }
0x40: {  	_ =	shalt  }
0x41: {  	_ =	shalt  }
0x42: {  	_ =	shalt  }
0x43: {  	_ =	shalt  }
0x44: {  	_ =	shalt  }
0x45: {  	_ =	shalt  }
0x46: {  	_ =	shalt  }
0x47: {  	_ =	shalt  }
0x48: {  	_ =	shalt  }
0x49: {  	_ =	shalt  }
0x4a: {  	_ =	shalt  }
0x4b: {  	_ =	shalt  }
0x4c: {  	_ =	shalt  }
0x4d: {  	_ =	shalt  }
0x4e: {  	_ =	shalt  }
0x4f: {  	_ =	shalt  }
0x50: {  	_ =	shalt  }
0x51: {  	_ =	shalt  }
0x52: {  	_ =	shalt  }
0x53: {  	_ =	shalt  }
0x54: {  	_ =	shalt  }
0x55: {  	_ =	shalt  }
0x56: {  	_ =	shalt  }
0x57: {  	_ =	shalt  }
0x58: {  	_ =	shalt  }
0x59: {  	_ =	shalt  }
0x5a: {  	_ =	shalt  }
0x5b: {  	_ =	shalt  }
0x5c: {  	_ =	shalt  }
0x5d: {  	_ =	shalt  }
0x5e: {  	_ =	shalt  }
0x5f: {  	_ =	shalt  }
0x60: {  	_ =	shalt  }
0x61: {  	_ =	shalt  }
0x62: {  	_ =	shalt  }
0x63: {  	_ =	shalt  }
0x64: {  	_ =	shalt  }
0x65: {  	_ =	shalt  }
0x66: {  	_ =	shalt  }
0x67: {  	_ =	shalt  }
0x68: {  	_ =	shalt  }
0x69: {  	_ =	shalt  }
0x6a: {  	_ =	shalt  }
0x6b: {  	_ =	shalt  }
0x6c: {  	_ =	shalt  }
0x6d: {  	_ =	shalt  }
0x6e: {  	_ =	shalt  }
0x6f: {  	_ =	shalt  }
0x70: {  	_ =	shalt  }
0x71: {  	_ =	shalt  }
0x72: {  	_ =	shalt  }
0x73: {  	_ =	shalt  }
0x74: {  	_ =	shalt  }
0x75: {  	_ =	shalt  }
0x76: {  	_ =	shalt  }
0x77: {  	_ =	shalt  }
0x78: {  	_ =	shalt  }
0x79: {  	_ =	shalt  }
0x7a: {  	_ =	shalt  }
0x7b: {  	_ =	shalt  }
0x7c: {  	_ =	shalt  }
0x7d: {  	_ =	shalt  }
0x7e: {  	_ =	shalt  }
0x7f: {  	_ =	shalt  }
0x80: {  	_ =	shalt  }
0x81: {  	_ =	shalt  }
0x82: {  	_ =	shalt  }
0x83: {  	_ =	shalt  }
0x84: {  	_ =	shalt  }
0x85: {  	_ =	shalt  }
0x86: {  	_ =	shalt  }
0x87: {  	_ =	shalt  }
.Lfunc_end0:
.L_simem_size_0:
called_computation.1_lowered:
.L_overlay_start_0:
0x88: {  	s2 =	sld [smem:$0x3FD9]  }
0x89: {  	s3 =	sld [smem:$0x3FFE];
	_ =	sdelay $0x1  }
0x8a: {  	s1 =	srdreg.scid  }
0x8b: {  	s0 =	sand.u32 $0x1, s1  }
0x8c: {  	s17 =	sshll.u32 s0, $0xA;
	s2 =	sadd.s32 s3, s2  }
0x8d: {  	s2 =	sadd.s32 s2, s17  }
0x8e: {  	[smem:$0x3FC6] =	sst s2  }
0x8f: {  	_ = 	snop  }
0x90: {  	s2 =	sld [smem:$0x3FD0];
	(tm) =	ssettm $0x1  }
0x91: {  	s18 =	sld [smem:$0x3FFB];
	_ =	sdelay $0x3  }
0x92: {  	_ =	strace s18  }
0x93: {  	s3 =	sld [smem:$0x3FFC];
	_ =	sdelay $0x3  }
0x94: {  	_ =	strace s3  }
0x95: {  	s3 =	sld [smem:$0x3FFD];
	_ =	sdelay $0x3  }
0x96: {  	_ =	strace s3  }
0x97: {  	_ =	strace $0x8FFFFFFF  }
0x98: {  	s19 =	sld [smem:$0x3FDB];
	_ =	sdelay $0x1  }
0x99: {  	s4 =	simm.s32 $_scs_section_size  }
0x9a: {  	s5 =	simm.s32 $_size__tile_overlayer_lowered;
	s6 =	simm.s32 $_tile_overlayer_lowered  }
0x9b: {  	s22 =	simm.s32 $0x1BFF;
	s21 =	sshll.u32 s6, $0x1;
	s3 =	sadd.s32 s4, s19  }
0x9c: {  	s7 =	simm.s32 $0x0;
	s20 =	sshll.u32 s5, $0x1;
	s5 =	sadd.s32 s21, s3  }
0x9d: {  	[timem:s7], [sflag:s22] =	dma.local [hbm:s5], s20  }
0x9e: {  	_ =	swait.ge [sflag:s22], s20  }
0x9f: {  	s4 =	ssub.s32 $0x0, s20;
	[sflag:s22] =	ssyncset.done $0x0  }
0xa0: {  	[sflag:s22] =	ssyncadd.s32 s4;
	_ =	sdelay $0x1  }
0xa1: {  	s23 =	simm.s32 $0x1B8B  }
0xa2: {  	_ =	swait.ge [sflag:s23], $0x1  }
0xa3: {  	[sflag:s23] =	ssyncset.done $0x0  }
0xa4: {  	s25 =	simm.s32 $0x1B8E;
	s24 =	sld [smem:$0x3FFE];
	[sflag:s23] =	ssyncadd.s32 $0xFFFFFFFF  }
0xa5: {  	s26 =	simm.s32 $execute0_lowered;
	[smem:$0x3FD2] =	sst s25  }
0xa6: {  	s5 =	sshll.u32 s26, $0x1;
	_ =	strace $0x80000046;
	[dreg:$0x1] =	wrdreg $0xFFFFFFFF  }
0xa7: {  	s28 =	simm.s32 $_size_execute0_lowered;
	s3 =	sadd.s32 s3, s5;
	[dreg:$0x0] =	wrdreg $0x0  }
0xa8: {  	s5 =	sshll.u32 s28, $0x1;
	[dreg:$0x2] =	wrdreg s3  }
0xa9: {  	[dreg:$0x3] =	wrdreg s5  }
0xaa: {  	[dreg:$0x4] =	wrdreg $0xC0  }
0xab: {  	_ =	task [dreg:s7], $0x5FFFF  }
0xac: {  	[dreg:$0x1] =	wrdreg $0xFFFFFFFF  }
0xad: {  	[dreg:$0x0] =	wrdreg $0x60  }
0xae: {  	[dreg:$0x2] =	wrdreg s2  }
0xaf: {  	[dreg:$0x3] =	wrdreg s24  }
0xb0: {  	[dreg:$0x4] =	wrdreg $0x9  }
0xb1: {  	_ =	task.clear_ibuf [dreg:s7], $0x5FFFF;
	_ =	strace $0x90000046  }
0xb2: {  	s29 =	simm.s32 $0x9;
	_ =	strace $0x80000048  }
0xb3: {  	_ =	swait.ge [sflag:s29], $0x1  }
0xb4: {  	[sflag:s29] =	ssyncadd.s32 $0xFFFFFFFF  }
0xb5: {  	_ =	strace $0x90000048  }
0xb6: {  	_ =	sfence  }
0xb7: {  	s30 =	sld [smem:$0x0];
	_ =	sdelay $0x2  }
0xb8: {  	s31 =	sshll.u32 s1, $0xD;
	s1 =	sshrl.u32 s1, $0x2  }
0xb9: {  	s3 =	sand.u32 $0x4000, s31;
	s1 =	sadd.s32 s1, s30  }
0xba: {  	s0 =	sor.u32 s3, s0;
	s1 =	sshll.u32 s1, $0x11  }
0xbb: {  	s0 =	sor.u32 s1, s0  }
0xbc: {  	s0 =	sadd.s32 $0x8F2B, s0  }
0xbd: {  	[sflag:s0] =	ssyncadd.remote.s32 $0x1  }
0xbe: {  	_ =	sfence.sel $0xFFFF  }
0xbf: {  	[dreg:$0x0] =	wrdreg $0xFFFFFFFF;
	(pc) =	sbr.abs _section_cstart, $3  }
0xc0: {  	[dreg:$0x1] =	wrdreg $0xFFFFFFFF  }
0xc1: {  	_ =	task.clear_ibuf [dreg:s7], $0x2FFFF;
	_ =	strace $0x9FFFFFFF  }
0xc2: {  	(tm) =	ssettm $0x7FFFFFFF  }
0xc3: {  	_ =	shalt  }
tec
execute0_lowered:
.L_overlay_start_1:
0x0: {  	(tag) =	ssettag $0x1  }
0x1: {  	s0 =	srdreg.scid  }
0x2: {  	s6 =	stileid.u32;
	s1 =	rddreg [dreg:$0x0]  }
0x3: {  	s4 =	rddreg [dreg:$0x1];
	s16 =	simm.s32 $0x40;
	s28 =	simm.s32 $0x3  }
0x4: {  	s29 =	simm.s32 $0x12400;
	s30 =	simm.s32 $0x4;
	s31 =	simm.s32 $0x14400  }
0x5: {  	s15 =	simm.s32 $0xC;
	s0 =	sand.u32 $0x1, s0;
	s2 =	sshll.u32 s6, $0x1  }
0x6: {  	s9 =	simm.s32 $0x0;
	s6 =	smul.u32 $0x640000, s6;
	s3 =	sor.u32 s0, s2  }
0x7: {  	s2 =	simm.s32 $0x0;
	s7 =	ssub.s32 $0x2, s0;
	s0 =	smul.u32 $0x320000, s0  }
0x8: {  	s5 =	smul.u32 $0xC80, s3;
	[smem:$0x7FF] =	sst s2;
	s3 =	sadd.s32 $0xF42E00, s4  }
0x9: {  	s4 =	sadd.s32 $0xA00, s4;
	s17 =	sshrl.u32 s7, $0x1;
	_ =	strace $0x80000047  }
0xa: {  	[dreg:$0x3] =	wrdreg s4;
	s4 =	ssub.s32 s7, s17;
	s0 =	sadd.s32 s0, s6  }
0xb: {  	s6 =	simm.s32 $0x8;
	s1 =	sadd.s32 s1, s5;
	s18 =	smax.u32 s4, $0x1  }
0xc: {  	s19 =	sor.u32 $0x6000, s0;
	s20 =	sor.u32 $0x4000, s0;
	s22 =	sor.u32 $0x2000, s0  }
0xd: {  	s23 =	sshrl.u32 s0, $0x3;
	s24 =	sor.u32 $0xE000, s0;
	s25 =	sor.u32 $0xC000, s0  }
0xe: {  	s26 =	sor.u32 $0xA000, s0;
	s0 =	sor.u32 $0x8000, s0;
	[dreg:$0x4] =	wrdreg s1  }
0xf: {  	s4 =	simm.s32 $0x7;
	s5 =	simm.s32 $0xB;
	[dreg:$0x5] =	wrdreg s18  }
0x10: {  	s1 =	sshrl.u32 s19, $0x3;
	s21 =	sshrl.u32 s20, $0x3;
	[dreg:$0x9] =	wrdreg s23  }
0x11: {  	s11 =	sshrl.u32 s24, $0x3;
	s12 =	sshrl.u32 s25, $0x3;
	s13 =	sshrl.u32 s26, $0x3  }
.Ltmp0:
0x12: {  	s14 =	sshrl.u32 s0, $0x3;
	s23 =	simm.s32 $0x1;
	(pc) =	sbr.rel .LBB2_1-.Ltmp0, $4  }
0x13: {  	s24 =	simm.s32 $0xE400;
	s25 =	simm.s32 $0x2;
	s26 =	simm.s32 $0x10400  }
0x14: {  	s0 =	simm.s32 $0x9;
	s19 =	simm.s32 $0x6;
	[dreg:$0x6] =	wrdreg s1  }
0x15: {  	[dreg:$0x7] =	wrdreg s21;
	s1 =	sshrl.u32 s22, $0x3;
	s22 =	simm.s32 $0xC400  }
0x16: {  	s21 =	simm.s32 $0xA;
	[dreg:$0x8] =	wrdreg s1;
	s1 =	simm.s32 $0x5  }
.LBB2_4:
0x17: {  	s7 =	simm.s32 $0xD  }
0x18: {  	_ =	swait.ge [sflag:s7], $0x2000  }
0x19: {  	[sflag:s7] =	ssyncset.done $0x0  }
0x1a: {  	s17 =	simm.s32 $0xE;
	[sflag:s7] =	ssyncadd.s32 $0xFFFFE000  }
0x1b: {  	_ =	swait.ge [sflag:s17], $0x2000  }
0x1c: {  	[sflag:s17] =	ssyncset.done $0x0  }
0x1d: {  	s18 =	simm.s32 $0xF;
	[sflag:s17] =	ssyncadd.s32 $0xFFFFE000  }
0x1e: {  	_ =	swait.ge [sflag:s18], $0x2000  }
0x1f: {  	[sflag:s18] =	ssyncset.done $0x0  }
0x20: {  	s8 =	simm.s32 $0x10;
	[sflag:s18] =	ssyncadd.s32 $0xFFFFE000  }
0x21: {  	_ =	swait.ge [sflag:s8], $0x2000  }
0x22: {  	s9 =	rddreg [dreg:$0xa]  }
0x23: {  	s20 =	rddreg [dreg:$0x5];
	s9 =	sadd.s32 $0x1, s9  }
0x24: {  	p0 =	sne.s32 s9, s20  }
.Ltmp1:
0x25: {  	_ = 	snop;
	(pc) =	sbr.rel @!p0 .LBB2_5-.Ltmp1, $3  }
0x26: {  	_ =	sdelay $0x1  }
0x27: {  	[sflag:s8] =	ssyncset.done $0x0  }
0x28: {  	[sflag:s8] =	ssyncadd.s32 $0xFFFFE000  }
.LBB2_1:
0x29: {  	[dreg:$0xa] =	wrdreg s9  }
0x2a: {  	s7 =	rddreg [dreg:$0x4];
	s9 =	simm.s32 $0x11  }
0x2b: {  	[tilespmem:s2], [sflag:$0x11] =	stream.linear.gather [hbm4b:s7+s2], $0x6400, $0x38;
	[tilespmem:$0x16400] =	vst v63  }
0x2c: {  	_ =	swait.ge [sflag:s9], $0x6400  }
0x2d: {  	[sflag:s9] =	ssyncset.done $0x0  }
0x2e: {  	s10 =	simm.s32 $0x6400;
	[sflag:s9] =	ssyncadd.s32 $0xFFFF9C00  }
0x2f: {  	[tilespmem:s10], [sflag:$0x1] =	stream.indirect.gather [hbm4b:s3+s16], $0x80, s2, s16, $0xb8;
	[tilespmem:$0x16400] =	vst v63  }
0x30: {  	s17 =	simm.s32 $0x8400  }
0x31: {  	[tilespmem:s17], [sflag:$0x2] =	stream.indirect.gather [hbm4b:s3+s16], $0x80, s16, s16, $0xb8;
	[tilespmem:$0x16400] =	vst v63  }
0x32: {  	s18 =	simm.s32 $0x80;
	s8 =	simm.s32 $0xA400  }
0x33: {  	[tilespmem:s8], [sflag:$0x3] =	stream.indirect.gather [hbm4b:s3+s16], $0x80, s18, s16, $0xb8;
	[tilespmem:$0x16400] =	vst v63  }
0x34: {  	s20 =	simm.s32 $0xC0;
	s17 =	rddreg [dreg:$0x3];
	s18 =	simm.s32 $0x0  }
0x35: {  	[tilespmem:s22], [sflag:$0x4] =	stream.indirect.gather [hbm4b:s3+s16], $0x80, s20, s16, $0xb8;
	[tilespmem:$0x16400] =	vst v63  }
.LBB2_2:
0x36: {  	_ =	swait.ge [sflag:s23], $0x2000;
	s8 =	simm.s32 $0x6400  }
0x37: {  	p0 =	seq.s32 s18, $0x0;
	[sflag:s23] =	ssyncset.done $0x0;
	s7 =	rddreg [dreg:$0x9]  }
0x38: {  	[sflag:s23] =	ssyncadd.s32 $0xFFFFE000;
	s20 =	sadd.s32 s17, s7;
	s7 =	simm.s32 @!p0 $0xD  }
0x39: {  	[hbm4b:s20+s2] =	stream.linear.scatter [tilespmem:s8], [sflag:$0x9], $0x2000, $0x38;
	[tilespmem:$0x16400] =	vst v63  }
0x3a: {  	_ =	swait.ge @!p0 [sflag:s7], $0x2000  }
0x3b: {  	s20 =	sshra.s32 s18, $0x2;
	[sflag:s7] =	ssyncset.done @!p0 $0x0  }
0x3c: {  	s9 =	sadd.s32 $0x100, s20;
	[sflag:s7] =	ssyncadd.s32 @!p0 $0xFFFFE000  }
0x3d: {  	[tilespmem:s24], [sflag:$0x5] =	stream.indirect.gather [hbm4b:s3+s16], $0x80, s9, s16, $0xb8;
	[tilespmem:$0x16400] =	vst v63  }
0x3e: {  	_ =	swait.ge [sflag:s25], $0x2000  }
0x3f: {  	[sflag:s25] =	ssyncset.done $0x0;
	s10 =	rddreg [dreg:$0x8]  }
0x40: {  	s8 =	simm.s32 $0x8400;
	[sflag:s25] =	ssyncadd.s32 $0xFFFFE000;
	s7 =	sadd.s32 s17, s10  }
0x41: {  	[hbm4b:s7+s2] =	stream.linear.scatter [tilespmem:s8], [sflag:$0xA], $0x2000, $0x38;
	[tilespmem:$0x16400] =	vst v63  }
0x42: {  	s7 =	simm.s32 @!p0 $0xE  }
0x43: {  	_ =	swait.ge @!p0 [sflag:s7], $0x2000  }
0x44: {  	[sflag:s7] =	ssyncset.done @!p0 $0x0  }
0x45: {  	s8 =	sadd.s32 $0x140, s20;
	[sflag:s7] =	ssyncadd.s32 @!p0 $0xFFFFE000  }
0x46: {  	[tilespmem:s26], [sflag:$0x6] =	stream.indirect.gather [hbm4b:s3+s16], $0x80, s8, s16, $0xb8;
	[tilespmem:$0x16400] =	vst v63  }
0x47: {  	_ =	swait.ge [sflag:s28], $0x2000  }
0x48: {  	[sflag:s28] =	ssyncset.done $0x0;
	s9 =	rddreg [dreg:$0x7]  }
0x49: {  	s10 =	simm.s32 $0xA400;
	[sflag:s28] =	ssyncadd.s32 $0xFFFFE000;
	s7 =	sadd.s32 s17, s9  }
0x4a: {  	[hbm4b:s7+s2] =	stream.linear.scatter [tilespmem:s10], [sflag:$0xB], $0x2000, $0x38;
	[tilespmem:$0x16400] =	vst v63  }
0x4b: {  	s7 =	simm.s32 @!p0 $0xF  }
0x4c: {  	_ =	swait.ge @!p0 [sflag:s7], $0x2000  }
0x4d: {  	[sflag:s7] =	ssyncset.done @!p0 $0x0  }
0x4e: {  	s9 =	sadd.s32 $0x180, s20;
	[sflag:s7] =	ssyncadd.s32 @!p0 $0xFFFFE000  }
0x4f: {  	[tilespmem:s29], [sflag:$0x7] =	stream.indirect.gather [hbm4b:s3+s16], $0x80, s9, s16, $0xb8;
	[tilespmem:$0x16400] =	vst v63  }
0x50: {  	_ =	swait.ge [sflag:s30], $0x2000  }
0x51: {  	[sflag:s30] =	ssyncset.done $0x0;
	s10 =	rddreg [dreg:$0x6]  }
0x52: {  	[sflag:s30] =	ssyncadd.s32 $0xFFFFE000;
	s7 =	sadd.s32 s17, s10  }
0x53: {  	[hbm4b:s7+s2] =	stream.linear.scatter [tilespmem:s22], [sflag:$0xC], $0x2000, $0x38;
	[tilespmem:$0x16400] =	vst v63  }
0x54: {  	s7 =	simm.s32 @!p0 $0x10  }
0x55: {  	_ =	swait.ge @!p0 [sflag:s7], $0x2000  }
0x56: {  	[sflag:s7] =	ssyncset.done @!p0 $0x0  }
0x57: {  	s8 =	sadd.s32 $0x1C0, s20;
	[sflag:s7] =	ssyncadd.s32 @!p0 $0xFFFFE000  }
0x58: {  	[tilespmem:s31], [sflag:$0x8] =	stream.indirect.gather [hbm4b:s3+s16], $0x80, s8, s16, $0xb8;
	[tilespmem:$0x16400] =	vst v63  }
0x59: {  	_ =	swait.ge [sflag:s1], $0x2000  }
0x5a: {  	[sflag:s1] =	ssyncset.done $0x0  }
0x5b: {  	s9 =	sadd.s32 s17, s14;
	[sflag:s1] =	ssyncadd.s32 $0xFFFFE000  }
0x5c: {  	[hbm4b:s9+s2] =	stream.linear.scatter [tilespmem:s24], [sflag:$0xD], $0x2000, $0x38;
	[tilespmem:$0x16400] =	vst v63  }
0x5d: {  	p0 =	seq.s32 s18, $0x18800;
	_ =	swait.ge [sflag:s0], $0x2000  }
0x5e: {  	s7 =	sshra.s32 @!p0 s18, $0x2;
	s10 =	simm.s32 @!p0 $0x6400;
	[sflag:s0] =	ssyncset.done $0x0  }
0x5f: {  	s8 =	sadd.s32 @!p0 $0x200, s7;
	s9 =	simm.s32 @!p0 $0x40;
	[sflag:s0] =	ssyncadd.s32 $0xFFFFE000  }
0x60: {  	[tilespmem:s10], [sflag:$0x1] =	stream.indirect.gather @!p0 [hbm4b:s3+s9], $0x80, s8, s9, $0xb8;
	[tilespmem:$0x16400] =	vst v63  }
0x61: {  	_ =	swait.ge [sflag:s19], $0x2000  }
0x62: {  	[sflag:s19] =	ssyncset.done $0x0  }
0x63: {  	s10 =	sadd.s32 s17, s13;
	[sflag:s19] =	ssyncadd.s32 $0xFFFFE000  }
0x64: {  	[hbm4b:s10+s2] =	stream.linear.scatter [tilespmem:s26], [sflag:$0xE], $0x2000, $0x38;
	[tilespmem:$0x16400] =	vst v63  }
0x65: {  	_ =	swait.ge [sflag:s21], $0x2000  }
0x66: {  	[sflag:s21] =	ssyncset.done $0x0  }
0x67: {  	s8 =	sadd.s32 @!p0 $0x240, s7;
	s10 =	simm.s32 @!p0 $0x8400;
	[sflag:s21] =	ssyncadd.s32 $0xFFFFE000  }
0x68: {  	[tilespmem:s10], [sflag:$0x2] =	stream.indirect.gather @!p0 [hbm4b:s3+s9], $0x80, s8, s9, $0xb8;
	[tilespmem:$0x16400] =	vst v63  }
0x69: {  	_ =	swait.ge [sflag:s4], $0x2000  }
0x6a: {  	[sflag:s4] =	ssyncset.done $0x0  }
0x6b: {  	s10 =	sadd.s32 s17, s12;
	[sflag:s4] =	ssyncadd.s32 $0xFFFFE000  }
0x6c: {  	[hbm4b:s10+s2] =	stream.linear.scatter [tilespmem:s29], [sflag:$0xF], $0x2000, $0x38;
	[tilespmem:$0x16400] =	vst v63  }
0x6d: {  	_ =	swait.ge [sflag:s5], $0x2000  }
0x6e: {  	[sflag:s5] =	ssyncset.done $0x0  }
0x6f: {  	s7 =	sadd.s32 @!p0 $0x280, s7;
	s8 =	simm.s32 @!p0 $0xA400;
	[sflag:s5] =	ssyncadd.s32 $0xFFFFE000  }
0x70: {  	[tilespmem:s8], [sflag:$0x3] =	stream.indirect.gather @!p0 [hbm4b:s3+s9], $0x80, s7, s9, $0xb8;
	[tilespmem:$0x16400] =	vst v63  }
0x71: {  	_ =	swait.ge [sflag:s6], $0x2000  }
0x72: {  	[sflag:s6] =	ssyncset.done $0x0  }
.Ltmp2:
0x73: {  	s10 =	sadd.s32 s17, s11;
	[sflag:s6] =	ssyncadd.s32 $0xFFFFE000;
	(pc) =	sbr.rel @p0 .LBB2_4-.Ltmp2, $4  }
0x74: {  	[hbm4b:s10+s2] =	stream.linear.scatter [tilespmem:s31], [sflag:$0x10], $0x2000, $0x38;
	[tilespmem:$0x16400] =	vst v63  }
0x75: {  	_ =	swait.ge [sflag:s15], $0x2000  }
0x76: {  	[sflag:s15] =	ssyncset.done $0x0  }
0x77: {  	[sflag:s15] =	ssyncadd.s32 $0xFFFFE000  }
.Ltmp3:
0x78: {  	(pc) =	sbr.rel .LBB2_2-.Ltmp3, $3  }
0x79: {  	_ =	sdelay $0x1  }
0x7a: {  	s7 =	sadd.s32 $0x2C0, s20;
	s18 =	sadd.s32 $0x800, s18;
	s17 =	sadd.s32 $0x2000, s17  }
0x7b: {  	[tilespmem:s22], [sflag:$0x4] =	stream.indirect.gather [hbm4b:s3+s16], $0x80, s7, s16, $0xb8;
	[tilespmem:$0x16400] =	vst v63  }
.LBB2_5:
0x7c: {  	_ =	sfence.sel $0x180000  }
0x7d: {  	[bflag:$0x0] =	sbarrier.arrive $0xFFFF  }
0x7e: {  	_ =	strace $0x90000047  }
0x7f: {  	s0 =	stileid.u32;
	[bflag:$0x2] =	sbarrier.arrive $0xFFFF  }
0x80: {  	p0 =	sne.s32 s0, $0x0;
	s0 =	rddreg [dreg:$0x2]  }
0x81: {  	s0 =	sadd.s32 @!p0 $0x100000, s0  }
0x82: {  	[sflag:s0] =	ssyncadd.tile.s32 @!p0 $0x1;
	_ =	shalt  }
.Lfunc_end2:
_tile_overlayer_lowered:
.L_overlay_start_2:
0x83: {  	(tag) =	ssettag $0x2  }
0x84: {  	s0 =	rddreg [dreg:$0x0];
	s2 =	stileid.u32  }
0x85: {  	s1 =	rddreg [dreg:$0x1];
	p0 =	sne.s32 s2, $0x0  }
0x86: {  	s3 =	rddreg [dreg:$0x2];
	[bflag:$0x3] =	sbarrier.arrive $0xFFFF;
	s2 =	simm.s32 @!p0 $0x1C11  }
0x87: {  	[timem:s3], [sflag:s2] =	dma.local @!p0 [hbm:s0], s1  }
0x88: {  	s0 =	simm.s32 @!p0 $0x11  }
0x89: {  	_ =	swait.ge @!p0 [sflag:s0], s1  }
0x8a: {  	s1 =	ssub.s32 @!p0 $0x0, s1;
	[sflag:s0] =	ssyncset.done @!p0 $0x0  }
0x8b: {  	[sflag:s0] =	ssyncadd.s32 @!p0 s1  }
0x8c: {  	[bflag:$0x3] =	sbarrier.arrive $0xFFFF  }
0x8d: {  	_ =	shalt  }

// kernel: sparse-core-data-format-call.cloned.1.call-start
scs
called_computation_lowered:
.L_overlay_start_0:
0x0: {  	s2 =	sld [smem:$0x3FD9]  }
0x1: {  	s3 =	sld [smem:$0x3FFE];
	_ =	sdelay $0x1  }
0x2: {  	s1 =	srdreg.scid  }
0x3: {  	s0 =	sand.u32 $0x1, s1  }
0x4: {  	s18 =	sshll.u32 s0, $0xA;
	s2 =	sadd.s32 s3, s2  }
0x5: {  	s2 =	sadd.s32 s2, s18  }
0x6: {  	[smem:$0x3FC6] =	sst s2  }
0x7: {  	_ = 	snop  }
0x8: {  	s2 =	sld [smem:$0x3FD0];
	(tm) =	ssettm $0x1  }
0x9: {  	s19 =	sld [smem:$0x3FFB];
	_ =	sdelay $0x3  }
0xa: {  	_ =	strace s19  }
0xb: {  	s3 =	sld [smem:$0x3FFC];
	_ =	sdelay $0x3  }
0xc: {  	_ =	strace s3  }
0xd: {  	s3 =	sld [smem:$0x3FFD];
	_ =	sdelay $0x3  }
0xe: {  	_ =	strace s3  }
0xf: {  	_ =	strace $0x8FFFFFFF  }
0x10: {  	s20 =	sld [smem:$0x3FDB];
	_ =	sdelay $0x1  }
0x11: {  	s4 =	simm.s32 $_scs_section_size  }
0x12: {  	s5 =	simm.s32 $_size__tile_overlayer_lowered;
	s6 =	simm.s32 $_tile_overlayer_lowered  }
0x13: {  	s23 =	simm.s32 $0x1BFF;
	s22 =	sshll.u32 s6, $0x1;
	s3 =	sadd.s32 s4, s20  }
0x14: {  	s7 =	simm.s32 $0x0;
	s21 =	sshll.u32 s5, $0x1;
	s5 =	sadd.s32 s22, s3  }
0x15: {  	[timem:s7], [sflag:s23] =	dma.local [hbm:s5], s21  }
0x16: {  	_ =	swait.ge [sflag:s23], s21  }
0x17: {  	s4 =	ssub.s32 $0x0, s21;
	[sflag:s23] =	ssyncset.done $0x0  }
0x18: {  	[sflag:s23] =	ssyncadd.s32 s4;
	_ =	sdelay $0x1  }
0x19: {  	s24 =	simm.s32 $0x1B8B  }
0x1a: {  	_ =	swait.ge [sflag:s24], $0x1  }
0x1b: {  	[sflag:s24] =	ssyncset.done $0x0  }
0x1c: {  	s26 =	simm.s32 $0x1B8E;
	s25 =	sld [smem:$0x3FFE];
	[sflag:s24] =	ssyncadd.s32 $0xFFFFFFFF  }
0x1d: {  	s27 =	simm.s32 $execute0_lowered;
	[smem:$0x3FD2] =	sst s26  }
0x1e: {  	s5 =	sshll.u32 s27, $0x1;
	_ =	strace $0x80000049;
	[dreg:$0x1] =	wrdreg $0xFFFFFFFF  }
0x1f: {  	s28 =	simm.s32 $_size_execute0_lowered;
	s3 =	sadd.s32 s3, s5;
	[dreg:$0x0] =	wrdreg $0x0  }
0x20: {  	s5 =	sshll.u32 s28, $0x1;
	[dreg:$0x2] =	wrdreg s3  }
0x21: {  	[dreg:$0x3] =	wrdreg s5  }
0x22: {  	[dreg:$0x4] =	wrdreg $0xC0  }
0x23: {  	_ =	task [dreg:s7], $0x5FFFF  }
0x24: {  	[dreg:$0x1] =	wrdreg $0xFFFFFFFF  }
0x25: {  	[dreg:$0x0] =	wrdreg $0x60  }
0x26: {  	[dreg:$0x2] =	wrdreg s25  }
0x27: {  	[dreg:$0x3] =	wrdreg s2  }
0x28: {  	[dreg:$0x4] =	wrdreg $0x9  }
0x29: {  	_ =	task.clear_ibuf [dreg:s7], $0x5FFFF;
	_ =	strace $0x90000049  }
0x2a: {  	s29 =	simm.s32 $0x9;
	_ =	strace $0x8000004B  }
0x2b: {  	_ =	swait.ge [sflag:s29], $0x1  }
0x2c: {  	[sflag:s29] =	ssyncadd.s32 $0xFFFFFFFF  }
0x2d: {  	_ =	strace $0x9000004B  }
0x2e: {  	_ =	sfence  }
0x2f: {  	s30 =	sld [smem:$0x0];
	_ =	sdelay $0x2  }
0x30: {  	s31 =	sshll.u32 s1, $0xD;
	s1 =	sshrl.u32 s1, $0x2  }
0x31: {  	s3 =	sand.u32 $0x4000, s31;
	s1 =	sadd.s32 s1, s30  }
0x32: {  	s0 =	sor.u32 s3, s0;
	s1 =	sshll.u32 s1, $0x11  }
0x33: {  	s0 =	sor.u32 s1, s0  }
0x34: {  	s0 =	sadd.s32 $0x8F2B, s0  }
0x35: {  	[sflag:s0] =	ssyncadd.remote.s32 $0x1  }
0x36: {  	_ =	sfence.sel $0xFFFF  }
0x37: {  	[dreg:$0x0] =	wrdreg $0xFFFFFFFF;
	(pc) =	sbr.abs _section_cstart, $3  }
0x38: {  	[dreg:$0x1] =	wrdreg $0xFFFFFFFF  }
0x39: {  	_ =	task.clear_ibuf [dreg:s7], $0x2FFFF;
	_ =	strace $0x9FFFFFFF  }
0x3a: {  	(tm) =	ssettm $0x7FFFFFFF  }
0x3b: {  	_ =	shalt  }
tec
execute0_lowered:
.L_overlay_start_1:
0x0: {  	(tag) =	ssettag $0x1  }
0x1: {  	s0 =	srdreg.scid  }
0x2: {  	s1 =	sshll.u32 s0, $0x4  }
0x3: {  	s0 =	stileid.u32;
	s1 =	sand.u32 $0x10, s1  }
0x4: {  	s1 =	sor.u32 s0, s1  }
0x5: {  	s6 =	rddreg [dreg:$0x0];
	s4 =	simm.s32 $0x1;
	s2 =	sshll.u32 s1, $0x7  }
0x6: {  	s7 =	simm.s32 $0x2;
	s12 =	simm.s32 $0x0;
	s1 =	ssub.s32 $0x1000, s2  }
0x7: {  	s8 =	simm.s32 $0x8000;
	s13 =	simm.s32 $0x0;
	s3 =	sand.u32 $0xF80, s1  }
0x8: {  	s9 =	simm.s32 $0x0;
	s5 =	sshrl.u32 s1, $0xC;
	p0 =	sne.s32 s3, $0x0  }
.Ltmp0:
0x9: {  	s1 =	rddreg [dreg:$0x2];
	s4 =	simm.s32 @!p0 $0x0;
	(pc) =	sbr.rel .LBB1_1-.Ltmp0, $4  }
0xa: {  	s11 =	simm.s32 $0x0;
	s3 =	rddreg [dreg:$0x1];
	s5 =	sadd.s32 s4, s5  }
0xb: {  	_ =	strace $0x8000004A;
	s4 =	simm.s32 $0x1;
	s5 =	smul.u32 $0xC8, s5  }
0xc: {  	s6 =	sadd.s32 $0xA00, s6;
	s10 =	smov.u32 s2;
	[sflag:s4] =	ssyncpa.u1 $0x0  }
0xd: {  	p0 =	por $0x0, $0x0;
	[sflag:s7] =	ssyncpa.u1 $0x0;
	s7 =	sor.u32 $0x1, s5  }
.LBB1_4:
0xe: {  	s16 =	sshll.u32 s13, $0x3;
	s17 =	sand.u32 $0x78, s13  }
0xf: {  	s30 =	sand.u32 $0x7E00, s13;
	s12 =	sshll.u32 s12, $0xF;
	s16 =	sand.u32 $0xC00, s16  }
0x10: {  	[tilespmem:s15+$0x810 ss:$0x81] =	vst.msk $0xffff, v2;
	s31 =	sand.u32 $0x7, s13;
	s16 =	sor.u32 s17, s16;
	s17 =	sadd.s32 s3, s30  }
0x11: {  	[tilespmem:s15+$0x1020 ss:$0x81] =	vst.msk $0xffff, v0;
	s13 =	sshll.u32 s31, $0x12;
	s12 =	sadd.s32 s12, s17;
	s16 =	sshrl.u32 s16, $0x3  }
0x12: {  	[tilespmem:s15+$0x0 ss:$0x81] =	vst.msk $0xffff, v1;
	s13 =	sor.u32 $0x400, s13;
	s12 =	sadd.s32 s16, s12  }
0x13: {  	[hbm4b:s12+s13] =	stream.strided.scatter [tilespmem:s14], [sflag:$0x2], $0x2000, s8, s13, $0x20;
	[tilespmem:$0x8080] =	vst v63  }
.LBB1_5:
0x14: {  	s14 =	sadd.s32 $0x1, s9  }
0x15: {  	s12 =	sadd.s32 $0x1000, s10;
	s16 =	smov.u32 s10;
	p2 =	sgt.s32 s14, $0xC7  }
0x16: {  	s16 =	smov.u32 @p2 s12  }
0x17: {  	s14 =	simm.s32 @p2 $0x0;
	p2 =	sgt.s32 s16, $0xFFF  }
0x18: {  	s16 =	smov.u32 @p2 s2;
	p2 =	sne.s32 s11, s7  }
.Ltmp1:
0x19: {  	p1 =	slt.u32 s11, $0x2;
	(pc) =	sbr.rel @!p2 .LBB1_6-.Ltmp1, $4  }
0x1a: {  	s15 =	simm.s32 @!p1 $0x2  }
0x1b: {  	s13 =	smov.u32 s10;
	p0 =	por !p0, !p0;
	_ =	swait.ge @!p1 [sflag:s15], $0x2000  }
0x1c: {  	s12 =	smov.u32 s9;
	[sflag:s15] =	ssyncset.done @!p1 $0x0;
	s9 =	smov.u32 s14  }
0x1d: {  	s11 =	sadd.s32 $0x1, s11;
	[sflag:s15] =	ssyncadd.s32 @!p1 $0xFFFFE000;
	s10 =	smov.u32 s16  }
.LBB1_1:
0x1e: {  	p1 =	sge.u32 s11, s5  }
0x1f: {  	s14 =	sand.u32 @!p1 $0x1FFFFFF, s9  }
0x20: {  	s15 =	smulhi.u32 @!p1 $0x147AE15, s14;
	_ =	sdelay $0x1  }
0x21: {  	s15 =	smul.u32 @!p1 $0xC8, s15  }
0x22: {  	s16 =	sxor.u32 @!p1 $0xFFFFFFFF, s11;
	s17 =	smul.u32 @!p1 $0xC80, s10  }
0x23: {  	s31 =	sadd.s32 $0xFFFFFFFF, s11;
	s16 =	sshll.u32 @!p1 s16, $0xD;
	s14 =	ssub.s32 @!p1 s14, s15  }
0x24: {  	s15 =	sand.u32 @!p1 $0x2000, s16;
	s16 =	sadd.s32 @!p1 s6, s17;
	s14 =	sshll.u32 @!p1 s14, $0x4  }
0x25: {  	s17 =	simm.s32 @!p1 $0x6400;
	s14 =	sadd.s32 @!p1 s14, s16;
	s16 =	simm.s32 @!p1 $0x40  }
0x26: {  	[tilespmem:s15], [sflag:$0x1] =	stream.strided.gather @!p1 [hbm4b:s14+s16], $0x2000, s17, s16, $0x38;
	[tilespmem:$0x8080] =	vst v63  }
0x27: {  	p1 =	sge.u32 s31, s5  }
.Ltmp2:
0x28: {  	_ = 	snop;
	(pc) =	sbr.rel @p1 .LBB1_5-.Ltmp2, $1  }
0x29: {  	_ =	sdelay $0x3  }
0x2a: {  	s14 =	simm.s32 $0x1  }
0x2b: {  	_ =	swait.ge [sflag:s4], $0x2000;
	s14 =	simm.s32 @!p0 $0x0  }
0x2c: {  	[sflag:s4] =	ssyncset.done $0x0;
	s15 =	sshll.u32 s14, $0xD  }
0x2d: {  	[sflag:s4] =	ssyncadd.s32 $0xFFFFE000;
	s18 =	sor.u32 $0x20, s15  }
0x2e: {  	s14 =	smul.u32 $0x8100, s14;
	v3 =	vld [tilespmem:s18+$0x10]  }
0x2f: {  	s30 =	sand.u32 $0x1, s11;
	v2 =	vld [tilespmem:s18+$0xFFFFFFF0]  }
0x30: {  	s15 =	smul.u32 $0x8100, s30;
	s14 =	sshrl.u32 s14, $0x2;
	v0 =	vld [tilespmem:s18+$0x0]  }
0x31: {  	v1 =	vld [tilespmem:s18+$0xFFFFFFE0];
	s16 =	sor.u32 $0x4000, s14  }
0x32: {  	s31 =	sshrl.u32 s15, $0x2;
	s15 =	sadd.s32 $0x0, s16  }
0x33: {  	s17 =	simm.s32 $0x4;
	s18 =	sadd.s32 $0x40, s18;
	s14 =	sor.u32 $0x4000, s31;
	[tilespmem:s15+$0x1830 ss:$0x81] =	vst.msk $0xffff, v3  }
.LBB1_3:
0x34: {  	v3 =	vld [tilespmem:s18+$0x10];
	p1 =	sne.s32 s17, $0x1FC;
	[tilespmem:s15+$0x810 ss:$0x81] =	vst.msk $0xffff, v2;
	s19 =	smov.u32 s17;
	s17 =	sadd.s32 $0x4, s17  }
.Ltmp3:
0x35: {  	v2 =	vld [tilespmem:s18+$0xFFFFFFF0];
	[tilespmem:s15+$0x1020 ss:$0x81] =	vst.msk $0xffff, v0;
	(pc) =	sbr.rel @p1 .LBB1_3-.Ltmp3, $4  }
0x36: {  	v0 =	vld [tilespmem:s18+$0x0];
	[tilespmem:s15+$0x0 ss:$0x81] =	vst.msk $0xffff, v1  }
0x37: {  	s15 =	sshra.s32 s19, $0x2;
	v1 =	vld [tilespmem:s18+$0xFFFFFFE0]  }
0x38: {  	s15 =	sadd.s32 s15, s16  }
0x39: {  	s18 =	sadd.s32 $0x40, s18;
	[tilespmem:s15+$0x1830 ss:$0x81] =	vst.msk $0xffff, v3  }
.Ltmp4:
0x3a: {  	_ = 	snop;
	(pc) =	sbr.rel .LBB1_4-.Ltmp4, $1  }
0x3b: {  	_ =	sdelay $0x3  }
.LBB1_6:
0x3c: {  	_ =	sfence.sel $0x180000  }
0x3d: {  	s2 =	simm.s32 $0x1;
	[bflag:$0x0] =	sbarrier.arrive $0xFFFF  }
0x3e: {  	s31 =	simm.s32 $0x2;
	[sflag:s2] =	ssyncpa.u1 $0x1  }
0x3f: {  	[sflag:s31] =	ssyncpa.u1 $0x1  }
0x40: {  	p0 =	sne.s32 s0, $0x0;
	_ =	strace $0x9000004A  }
0x41: {  	s0 =	sadd.s32 @!p0 $0x100000, s1;
	[bflag:$0x2] =	sbarrier.arrive $0xFFFF  }
0x42: {  	[sflag:s0] =	ssyncadd.tile.s32 @!p0 $0x1;
	_ =	shalt  }
.Lfunc_end1:
_tile_overlayer_lowered:
.L_overlay_start_2:
0x43: {  	(tag) =	ssettag $0x2  }
0x44: {  	s0 =	rddreg [dreg:$0x0];
	s2 =	stileid.u32  }
0x45: {  	s1 =	rddreg [dreg:$0x1];
	p0 =	sne.s32 s2, $0x0  }
0x46: {  	s3 =	rddreg [dreg:$0x2];
	[bflag:$0x3] =	sbarrier.arrive $0xFFFF;
	s2 =	simm.s32 @!p0 $0x1C01  }
0x47: {  	[timem:s3], [sflag:s2] =	dma.local @!p0 [hbm:s0], s1  }
0x48: {  	s0 =	simm.s32 @!p0 $0x1  }
0x49: {  	_ =	swait.ge @!p0 [sflag:s0], s1  }
0x4a: {  	s1 =	ssub.s32 @!p0 $0x0, s1;
	[sflag:s0] =	ssyncset.done @!p0 $0x0  }
0x4b: {  	[sflag:s0] =	ssyncadd.s32 @!p0 s1  }
0x4c: {  	[bflag:$0x3] =	sbarrier.arrive $0xFFFF  }
0x4d: {  	_ =	shalt  }

</sc_bundles>
